<compile_context>
chip_gen: v7x
topology: tpu7x:2x2x1
jax: 0.10.2.dev20260603
libtpu: 0.0.44.dev20260713+nightly
codegen_flags: <defaults>
</compile_context>

<pallas_src>
import functools

import jax
import jax.numpy as jnp
from jax import lax
from jax.experimental import pallas as pl
from jax.experimental.pallas import tpu as pltpu
from jax.experimental.pallas import tpu_sc as plsc

NSEG = 64
D = 128
CHUNK = 256


def _seg_accumulate(x_hbm, out_hbm, offs_v, acc_v, buf, seg, off_base, n_rows):
    ov = offs_v[pl.ds(off_base + seg, 16)]
    off0 = ov[0]
    off1 = ov[1]
    off0_al = (off0 // 8) * 8
    nch = (off1 - off0_al + (CHUNK - 1)) // CHUNK

    def chunk_body(i, accs):
        start = jnp.minimum(off0_al + i * CHUNK, n_rows - CHUNK)
        start = pl.multiple_of(start, 8)
        pltpu.sync_copy(x_hbm.at[pl.ds(start, CHUNK)], buf)

        def row_body(r, accs):
            g = start + r
            w = jnp.where((g >= off0) & (g < off1), 1.0, 0.0)
            return tuple(
                accs[j] + w * buf[r, pl.ds(j * 16, 16)] for j in range(8)
            )

        return lax.fori_loop(0, CHUNK, row_body, accs)

    zeros = tuple(jnp.zeros((16,), jnp.float32) for _ in range(8))
    accs = lax.fori_loop(0, nch, chunk_body, zeros)
    for j in range(8):
        acc_v[pl.ds(j * 16, 16)] = accs[j]
    pltpu.sync_copy(acc_v, out_hbm.at[seg])


def _make_sc_segsum(n_lane, n_agent):
    info = plsc.get_sparse_core_info()
    nc, ns = info.num_cores, info.num_subcores
    mesh = plsc.VectorSubcoreMesh(core_axis_name="c", subcore_axis_name="s")

    def body(xl_hbm, xa_hbm, offs_hbm, sum_l_hbm, sum_a_hbm,
             offs_v, acc_v, buf):
        wid = lax.axis_index("s") * nc + lax.axis_index("c")
        pltpu.sync_copy(offs_hbm, offs_v)
        for k in range(2):
            seg = wid * 2 + k
            _seg_accumulate(xl_hbm, sum_l_hbm, offs_v, acc_v, buf,
                            seg, 0, n_lane)
            _seg_accumulate(xa_hbm, sum_a_hbm, offs_v, acc_v, buf,
                            seg, 80, n_agent)

    return pl.kernel(
        body,
        out_type=(
            jax.ShapeDtypeStruct((NSEG, D), jnp.float32),
            jax.ShapeDtypeStruct((NSEG, D), jnp.float32),
        ),
        mesh=mesh,
        scratch_types=[
            pltpu.VMEM((160,), jnp.int32),
            pltpu.VMEM((D,), jnp.float32),
            pltpu.VMEM((CHUNK, D), jnp.float32),
        ],
    )


def _mlp_body(sl_ref, sa_ref, cl_ref, ca_ref, wa_ref, ba_ref,
              w1l_ref, w1a_ref, b1_ref, w2_ref, b2_ref, wc_ref, out_ref):
    cl = cl_ref[...]
    ca = ca_ref[...]
    ml = sl_ref[...] / jnp.maximum(cl, 1.0)
    ma = sa_ref[...] / jnp.maximum(ca, 1.0)
    up = jnp.dot(ma, wa_ref[...], preferred_element_type=jnp.float32)
    up = up + ba_ref[...]
    ctx_a = jnp.where(ca > 0.0, up, 0.0)
    h = (jnp.dot(ml, w1l_ref[...], preferred_element_type=jnp.float32)
         + jnp.dot(ctx_a, w1a_ref[...], preferred_element_type=jnp.float32)
         + b1_ref[...])
    h = h * jax.nn.sigmoid(h)
    ctx = jnp.dot(h, w2_ref[...], preferred_element_type=jnp.float32)
    ctx = ctx + b2_ref[...]
    out_ref[...] = jnp.dot(ctx, wc_ref[...], preferred_element_type=jnp.float32)


_mlp = pl.pallas_call(
    _mlp_body,
    out_shape=jax.ShapeDtypeStruct((NSEG, D), jnp.float32),
)


def kernel(x_lane, x_agent, lane_batch, agent_batch,
           W_a, b_a, W1, b1, W2, b2, W_c):
    n_lane = x_lane.shape[0]
    n_agent = x_agent.shape[0]
    segs = jnp.arange(NSEG, dtype=lane_batch.dtype)
    offs_l = jnp.searchsorted(lane_batch, segs, side="left").astype(jnp.int32)
    offs_l = jnp.concatenate(
        [offs_l, jnp.full((16,), n_lane, jnp.int32)])
    offs_a = jnp.searchsorted(agent_batch, segs, side="left").astype(jnp.int32)
    offs_a = jnp.concatenate(
        [offs_a, jnp.full((16,), n_agent, jnp.int32)])
    offs = jnp.concatenate([offs_l, offs_a])

    cnt_l = (offs_l[1:65] - offs_l[:64]).astype(jnp.float32)[:, None]
    cnt_a = (offs_a[1:65] - offs_a[:64]).astype(jnp.float32)[:, None]

    sum_l, sum_a = _make_sc_segsum(n_lane, n_agent)(x_lane, x_agent, offs)

    return _mlp(sum_l, sum_a, cnt_l, cnt_a,
                W_a.T, b_a[None, :],
                W1[:, :D].T, W1[:, D:].T, b1[None, :],
                W2.T, b2[None, :], W_c.T)

# --- scband reference (transcript-rebuilt; emitter-appended) ---
"""Pipeline reference for scband-global-context-fusion-89970974917095 (READ-ONLY COPY).

The authoritative reference and input builder live on the scoring server;
editing this copy changes nothing except your own understanding.
"""

import jax, jax.numpy as jnp
import numpy as np

NUM_SEGMENTS = 64


def scatter_mean(x, ids, num_segments):
    s = jax.ops.segment_sum(x, ids, num_segments=num_segments)
    cnt = jax.ops.segment_sum(jnp.ones((x.shape[0],), x.dtype), ids, num_segments=num_segments)
    return s / jnp.maximum(cnt, 1.0)[:, None]


def setup_inputs(seed: int = 0):
    key = jax.random.key(seed)
    ks = jax.random.split(key, 12)
    N_lane, N_agent = 320000, 50000
    d_lane, d_agent, d_out = 128, 128, 128
    x_lane = jax.random.normal(ks[0], (N_lane, d_lane), jnp.float32)
    x_agent = jax.random.normal(ks[1], (N_agent, d_agent), jnp.float32)
    lane_batch = jnp.sort(jax.random.randint(ks[2], (N_lane,), 0, NUM_SEGMENTS))
    agent_batch = jnp.sort(jax.random.randint(ks[3], (N_agent,), 0, NUM_SEGMENTS))

    def lin_w(k, out_d, in_d):
        bound = 1.0 / np.sqrt(in_d)
        return jax.random.uniform(k, (out_d, in_d), jnp.float32, -bound, bound)

    def lin_b(k, out_d, in_d):
        bound = 1.0 / np.sqrt(in_d)
        return jax.random.uniform(k, (out_d,), jnp.float32, -bound, bound)

    W_a = lin_w(ks[4], d_lane, d_agent)
    b_a = lin_b(ks[5], d_lane, d_agent)
    W1 = lin_w(ks[6], d_lane, 2 * d_lane)
    b1 = lin_b(ks[7], d_lane, 2 * d_lane)
    W2 = lin_w(ks[8], d_out, d_lane)
    b2 = lin_b(ks[9], d_out, d_lane)
    W_c = lin_w(ks[10], d_out, d_out)
    return {"x_lane": x_lane, "x_agent": x_agent, "lane_batch": lane_batch,
            "agent_batch": agent_batch, "W_a": W_a, "b_a": b_a,
            "W1": W1, "b1": b1, "W2": W2, "b2": b2, "W_c": W_c}


def reference(x_lane, x_agent, lane_batch, agent_batch, W_a, b_a, W1, b1, W2, b2, W_c):
    # ctx_lane_mean = scatter_mean(x_lane, lane_batch)
    ctx_lane = scatter_mean(x_lane, lane_batch, NUM_SEGMENTS)
    # agent_up = Linear(agent_hidden -> lane_hidden)
    agent_up = x_agent @ W_a.T + b_a
    ctx_agent = scatter_mean(agent_up, agent_batch, NUM_SEGMENTS)
    # var_scale == 0.0 -> no second-moment branch
    ctx_combined = jnp.concatenate([ctx_lane, ctx_agent], axis=-1)
    h = ctx_combined @ W1.T + b1
    h = jax.nn.silu(h)
    ctx = h @ W2.T + b2
    ctx_delta = ctx @ W_c.T
    return ctx_delta

if __name__ == "__main__":
    import jax
    _d = setup_inputs()
    print(jax.jit(kernel)(*tuple(_d.values())))

</pallas_src>

<mosaic_0001>
#map = affine_map<(d0, d1) -> (0, 0)>
#map1 = affine_map<(d0, d1) -> (0)>
module attributes {stable_mosaic.version = 14 : i64} {
  func.func @body(%arg0: i32, %arg1: i32, %arg2: memref<320000x128xf32, #tpu.memory_space<hbm>>, %arg3: memref<50000x128xf32, #tpu.memory_space<hbm>>, %arg4: memref<160xi32, #tpu.memory_space<hbm>>, %arg5: memref<64x128xf32, #tpu.memory_space<hbm>>, %arg6: memref<64x128xf32, #tpu.memory_space<hbm>>, %arg7: memref<160xi32, #tpu.memory_space<vmem>>, %arg8: memref<128xf32, #tpu.memory_space<vmem>>, %arg9: memref<256x128xf32, #tpu.memory_space<vmem>>) attributes {dimension_semantics = [#tpu.dimension_semantics<core_parallel>, #tpu.dimension_semantics<subcore_parallel>], iteration_bounds = array<i64: 2, 16>, scalar_prefetch = 0 : i64, scratch_operands = 3 : i64, tpu.core_type = #tpu.core_type<sc_vector_subcore>, window_params = [{transform_indices = #map}, {transform_indices = #map}, {transform_indices = #map1}, {transform_indices = #map}, {transform_indices = #map}]} {
    %mul3A = arith.constant 2 : i32
    %mul3A_0 = arith.muli %arg1, %mul3A : i32
    %add3A = arith.addi %mul3A_0, %arg0 : i32
    "tpu.region"() ({
      %run_scoped3A = tpu.sem_alloc : memref<!tpu.dma_semaphore, #tpu.memory_space<semaphore_mem>>
      tpu.enqueue_dma source(%arg4 : memref<160xi32, #tpu.memory_space<hbm>>) target(%arg7 : memref<160xi32, #tpu.memory_space<vmem>>) target_semaphore(%run_scoped3A : memref<!tpu.dma_semaphore, #tpu.memory_space<semaphore_mem>>)
      tpu.wait_dma2 semaphore(%run_scoped3A : memref<!tpu.dma_semaphore, #tpu.memory_space<semaphore_mem>>) src(%arg4 : memref<160xi32, #tpu.memory_space<hbm>>) dst(%arg7 : memref<160xi32, #tpu.memory_space<vmem>>)
      tpu.yield
    }) : () -> ()
    %mul3A_1 = arith.constant 2 : i32
    %mul3A_2 = arith.muli %add3A, %mul3A_1 : i32
    %add3A_3 = arith.constant 0 : i32
    %add3A_4 = arith.addi %mul3A_2, %add3A_3 : i32
    %add3A_5 = arith.constant 0 : i32
    %add3A_6 = arith.addi %add3A_5, %add3A_4 : i32
    %get3A = arith.index_cast %add3A_6 : i32 to index
    %get3A_7 = tpu.vector_load %arg7[%get3A] {strides = array<i32>} : memref<160xi32, #tpu.memory_space<vmem>>, vector<16xi32>,
    %get3A_8 = vector.shape_cast %get3A_7 : vector<16xi32> to vector<16xi32>
    %slice3A = vector.extract_strided_slice %get3A_8 {offsets = [0], sizes = [1], strides = [1]} : vector<16xi32> to vector<1xi32>
    %squeeze3A = vector.extract %slice3A[0] : i32 from vector<1xi32>
    %slice3A_9 = vector.extract_strided_slice %get3A_8 {offsets = [1], sizes = [1], strides = [1]} : vector<16xi32> to vector<1xi32>
    %squeeze3A_10 = vector.extract %slice3A_9[0] : i32 from vector<1xi32>
    %jit3A = arith.constant 8 : i32
    %div3A = arith.divsi %squeeze3A, %jit3A : i32
    %sign3A = arith.constant 0 : i32
    %sign3A_11 = arith.cmpi sgt, %squeeze3A, %sign3A : i32
    %sign3A_12 = arith.extui %sign3A_11 : i1 to i32
    %sign3A_13 = arith.constant 0 : i32
    %sign3A_14 = arith.cmpi slt, %squeeze3A, %sign3A_13 : i32
    %sign3A_15 = arith.extui %sign3A_14 : i1 to i32
    %sign3A_16 = arith.subi %sign3A_12, %sign3A_15 : i32
    %sign3A_17 = arith.constant 0 : i32
    %sign3A_18 = arith.cmpi sgt, %jit3A, %sign3A_17 : i32
    %sign3A_19 = arith.extui %sign3A_18 : i1 to i32
    %sign3A_20 = arith.constant 0 : i32
    %sign3A_21 = arith.cmpi slt, %jit3A, %sign3A_20 : i32
    %sign3A_22 = arith.extui %sign3A_21 : i1 to i32
    %sign3A_23 = arith.subi %sign3A_19, %sign3A_22 : i32
    %ne3A = arith.cmpi ne, %sign3A_16, %sign3A_23 : i32
    %rem3A = arith.remsi %squeeze3A, %jit3A : i32
    %ne3A_24 = arith.constant 0 : i32
    %ne3A_25 = arith.cmpi ne, %rem3A, %ne3A_24 : i32
    %and3A = arith.andi %ne3A, %ne3A_25 : i1
    %sub3A = arith.constant 1 : i32
    %sub3A_26 = arith.subi %div3A, %sub3A : i32
    %select_n3A = arith.select %and3A, %sub3A_26, %div3A : i32
    %mul3A_27 = arith.constant 8 : i32
    %mul3A_28 = arith.muli %select_n3A, %mul3A_27 : i32
    %sub3A_29 = arith.subi %squeeze3A_10, %mul3A_28 : i32
    %add3A_30 = arith.constant 255 : i32
    %add3A_31 = arith.addi %sub3A_29, %add3A_30 : i32
    %jit3A_32 = arith.constant 256 : i32
    %div3A_33 = arith.divsi %add3A_31, %jit3A_32 : i32
    %sign3A_34 = arith.constant 0 : i32
    %sign3A_35 = arith.cmpi sgt, %add3A_31, %sign3A_34 : i32
    %sign3A_36 = arith.extui %sign3A_35 : i1 to i32
    %sign3A_37 = arith.constant 0 : i32
    %sign3A_38 = arith.cmpi slt, %add3A_31, %sign3A_37 : i32
    %sign3A_39 = arith.extui %sign3A_38 : i1 to i32
    %sign3A_40 = arith.subi %sign3A_36, %sign3A_39 : i32
    %sign3A_41 = arith.constant 0 : i32
    %sign3A_42 = arith.cmpi sgt, %jit3A_32, %sign3A_41 : i32
    %sign3A_43 = arith.extui %sign3A_42 : i1 to i32
    %sign3A_44 = arith.constant 0 : i32
    %sign3A_45 = arith.cmpi slt, %jit3A_32, %sign3A_44 : i32
    %sign3A_46 = arith.extui %sign3A_45 : i1 to i32
    %sign3A_47 = arith.subi %sign3A_43, %sign3A_46 : i32
    %ne3A_48 = arith.cmpi ne, %sign3A_40, %sign3A_47 : i32
    %rem3A_49 = arith.remsi %add3A_31, %jit3A_32 : i32
    %ne3A_50 = arith.constant 0 : i32
    %ne3A_51 = arith.cmpi ne, %rem3A_49, %ne3A_50 : i32
    %and3A_52 = arith.andi %ne3A_48, %ne3A_51 : i1
    %sub3A_53 = arith.constant 1 : i32
    %sub3A_54 = arith.subi %div3A_33, %sub3A_53 : i32
    %select_n3A_55 = arith.select %and3A_52, %sub3A_54, %div3A_33 : i32
    %broadcast_in_dim3A = arith.constant 0.000000e+00 : f32
    %broadcast_in_dim3A_56 = vector.broadcast %broadcast_in_dim3A : f32 to vector<16xf32>
    %broadcast_in_dim3A_57 = arith.constant 0.000000e+00 : f32
    %broadcast_in_dim3A_58 = vector.broadcast %broadcast_in_dim3A_57 : f32 to vector<16xf32>
    %broadcast_in_dim3A_59 = arith.constant 0.000000e+00 : f32
    %broadcast_in_dim3A_60 = vector.broadcast %broadcast_in_dim3A_59 : f32 to vector<16xf32>
    %broadcast_in_dim3A_61 = arith.constant 0.000000e+00 : f32
    %broadcast_in_dim3A_62 = vector.broadcast %broadcast_in_dim3A_61 : f32 to vector<16xf32>
    %broadcast_in_dim3A_63 = arith.constant 0.000000e+00 : f32
    %broadcast_in_dim3A_64 = vector.broadcast %broadcast_in_dim3A_63 : f32 to vector<16xf32>
    %broadcast_in_dim3A_65 = arith.constant 0.000000e+00 : f32
    %broadcast_in_dim3A_66 = vector.broadcast %broadcast_in_dim3A_65 : f32 to vector<16xf32>
    %broadcast_in_dim3A_67 = arith.constant 0.000000e+00 : f32
    %broadcast_in_dim3A_68 = vector.broadcast %broadcast_in_dim3A_67 : f32 to vector<16xf32>
    %broadcast_in_dim3A_69 = arith.constant 0.000000e+00 : f32
    %broadcast_in_dim3A_70 = vector.broadcast %broadcast_in_dim3A_69 : f32 to vector<16xf32>
    %while3A = arith.constant 0 : i32
    %while3A_71 = arith.subi %select_n3A_55, %while3A : i32
    %while3A_72 = arith.addi %while3A, %while3A_71 : i32
    %while3A_73 = arith.constant 1 : i32
    %while3A_74 = arith.divsi %while3A_71, %while3A_73 : i32
    %while3A_75 = arith.muli %while3A_74, %while3A_73 : i32
    %while3A_76 = arith.addi %while3A, %while3A_75 : i32
    %while3A_77 = arith.constant 1 : i32
    %while3A_78:8 = scf.for %while3A_479 = %while3A to %while3A_76 step %while3A_77 iter_args(%while3A_480 = %broadcast_in_dim3A_56, %while3A_481 = %broadcast_in_dim3A_58, %while3A_482 = %broadcast_in_dim3A_60, %while3A_483 = %broadcast_in_dim3A_62, %while3A_484 = %broadcast_in_dim3A_64, %while3A_485 = %broadcast_in_dim3A_66, %while3A_486 = %broadcast_in_dim3A_68, %while3A_487 = %broadcast_in_dim3A_70) -> (vector<16xf32>, vector<16xf32>, vector<16xf32>, vector<16xf32>, vector<16xf32>, vector<16xf32>, vector<16xf32>, vector<16xf32>)  : i32 {
      %mul3A_488 = arith.constant 256 : i32
      %mul3A_489 = arith.muli %while3A_479, %mul3A_488 : i32
      %add3A_490 = arith.addi %mul3A_28, %mul3A_489 : i32
      %min3A = arith.constant 319744 : i32
      %min3A_491 = arith.minsi %add3A_490, %min3A : i32
      %multiple_of3A = tpu.assume_multiple %min3A_491, 8 : i32
      "tpu.region"() ({
        %run_scoped3A = tpu.sem_alloc : memref<!tpu.dma_semaphore, #tpu.memory_space<semaphore_mem>>
        %dma_start3A = arith.constant 0 : i32
        %dma_start3A_497 = tpu.memref_slice %arg2[%multiple_of3A, %dma_start3A] : memref<320000x128xf32, #tpu.memory_space<hbm>> -> memref<256x128xf32, #tpu.memory_space<hbm>>
        %dma_start3A_498 = arith.constant 0 : i32
        %dma_start3A_499 = tpu.memref_slice %arg2[%multiple_of3A, %dma_start3A_498] : memref<320000x128xf32, #tpu.memory_space<hbm>> -> memref<256x128xf32, #tpu.memory_space<hbm>>
        tpu.enqueue_dma source(%dma_start3A_499 : memref<256x128xf32, #tpu.memory_space<hbm>>) target(%arg9 : memref<256x128xf32, #tpu.memory_space<vmem>>) target_semaphore(%run_scoped3A : memref<!tpu.dma_semaphore, #tpu.memory_space<semaphore_mem>>)
        %dma_wait3A = arith.constant 0 : i32
        %dma_wait3A_500 = tpu.memref_slice %arg2[%multiple_of3A, %dma_wait3A] : memref<320000x128xf32, #tpu.memory_space<hbm>> -> memref<256x128xf32, #tpu.memory_space<hbm>>
        %dma_wait3A_501 = arith.constant 0 : i32
        %dma_wait3A_502 = tpu.memref_slice %arg2[%multiple_of3A, %dma_wait3A_501] : memref<320000x128xf32, #tpu.memory_space<hbm>> -> memref<256x128xf32, #tpu.memory_space<hbm>>
        tpu.wait_dma2 semaphore(%run_scoped3A : memref<!tpu.dma_semaphore, #tpu.memory_space<semaphore_mem>>) src(%dma_wait3A_502 : memref<256x128xf32, #tpu.memory_space<hbm>>) dst(%arg9 : memref<256x128xf32, #tpu.memory_space<vmem>>)
        tpu.yield
      }) : () -> ()
      %scan3A = arith.constant 0 : i32
      %scan3A_492 = arith.constant 256 : i32
      %scan3A_493 = arith.addi %scan3A, %scan3A_492 : i32
      %scan3A_494 = arith.constant 1 : i32
      %scan3A_495:8 = scf.for %scan3A_497 = %scan3A to %scan3A_493 step %scan3A_494 iter_args(%scan3A_498 = %while3A_480, %scan3A_499 = %while3A_481, %scan3A_500 = %while3A_482, %scan3A_501 = %while3A_483, %scan3A_502 = %while3A_484, %scan3A_503 = %while3A_485, %scan3A_504 = %while3A_486, %scan3A_505 = %while3A_487) -> (vector<16xf32>, vector<16xf32>, vector<16xf32>, vector<16xf32>, vector<16xf32>, vector<16xf32>, vector<16xf32>, vector<16xf32>)  : i32 {
        %add3A_506 = arith.addi %multiple_of3A, %scan3A_497 : i32
        %ge3A = arith.cmpi sge, %add3A_506, %squeeze3A : i32
        %lt3A = arith.cmpi slt, %add3A_506, %squeeze3A_10 : i32
        %and3A_507 = arith.andi %ge3A, %lt3A : i1
        %jit3A_508 = arith.constant 1.000000e+00 : f32
        %jit3A_509 = arith.constant 0.000000e+00 : f32
        %select_n3A_510 = arith.select %and3A_507, %jit3A_508, %jit3A_509 : f32
        %get3A_511 = arith.index_cast %scan3A_497 : i32 to index
        %get3A_512 = arith.constant 0 : index
        %get3A_513 = tpu.vector_load %arg9[%get3A_511, %get3A_512] {strides = array<i32>} : memref<256x128xf32, #tpu.memory_space<vmem>>, vector<1x16xf32>,
        %get3A_514 = vector.shape_cast %get3A_513 : vector<1x16xf32> to vector<16xf32>
        %mul3A_515 = vector.broadcast %select_n3A_510 : f32 to vector<16xf32>
        %mul3A_516 = arith.mulf %mul3A_515, %get3A_514 : vector<16xf32>
        %add3A_517 = arith.addf %scan3A_498, %mul3A_516 : vector<16xf32>
        %get3A_518 = arith.index_cast %scan3A_497 : i32 to index
        %get3A_519 = arith.constant 16 : index
        %get3A_520 = tpu.vector_load %arg9[%get3A_518, %get3A_519] {strides = array<i32>} : memref<256x128xf32, #tpu.memory_space<vmem>>, vector<1x16xf32>,
        %get3A_521 = vector.shape_cast %get3A_520 : vector<1x16xf32> to vector<16xf32>
        %mul3A_522 = vector.broadcast %select_n3A_510 : f32 to vector<16xf32>
        %mul3A_523 = arith.mulf %mul3A_522, %get3A_521 : vector<16xf32>
        %add3A_524 = arith.addf %scan3A_499, %mul3A_523 : vector<16xf32>
        %get3A_525 = arith.index_cast %scan3A_497 : i32 to index
        %get3A_526 = arith.constant 32 : index
        %get3A_527 = tpu.vector_load %arg9[%get3A_525, %get3A_526] {strides = array<i32>} : memref<256x128xf32, #tpu.memory_space<vmem>>, vector<1x16xf32>,
        %get3A_528 = vector.shape_cast %get3A_527 : vector<1x16xf32> to vector<16xf32>
        %mul3A_529 = vector.broadcast %select_n3A_510 : f32 to vector<16xf32>
        %mul3A_530 = arith.mulf %mul3A_529, %get3A_528 : vector<16xf32>
        %add3A_531 = arith.addf %scan3A_500, %mul3A_530 : vector<16xf32>
        %get3A_532 = arith.index_cast %scan3A_497 : i32 to index
        %get3A_533 = arith.constant 48 : index
        %get3A_534 = tpu.vector_load %arg9[%get3A_532, %get3A_533] {strides = array<i32>} : memref<256x128xf32, #tpu.memory_space<vmem>>, vector<1x16xf32>,
        %get3A_535 = vector.shape_cast %get3A_534 : vector<1x16xf32> to vector<16xf32>
        %mul3A_536 = vector.broadcast %select_n3A_510 : f32 to vector<16xf32>
        %mul3A_537 = arith.mulf %mul3A_536, %get3A_535 : vector<16xf32>
        %add3A_538 = arith.addf %scan3A_501, %mul3A_537 : vector<16xf32>
        %get3A_539 = arith.index_cast %scan3A_497 : i32 to index
        %get3A_540 = arith.constant 64 : index
        %get3A_541 = tpu.vector_load %arg9[%get3A_539, %get3A_540] {strides = array<i32>} : memref<256x128xf32, #tpu.memory_space<vmem>>, vector<1x16xf32>,
        %get3A_542 = vector.shape_cast %get3A_541 : vector<1x16xf32> to vector<16xf32>
        %mul3A_543 = vector.broadcast %select_n3A_510 : f32 to vector<16xf32>
        %mul3A_544 = arith.mulf %mul3A_543, %get3A_542 : vector<16xf32>
        %add3A_545 = arith.addf %scan3A_502, %mul3A_544 : vector<16xf32>
        %get3A_546 = arith.index_cast %scan3A_497 : i32 to index
        %get3A_547 = arith.constant 80 : index
        %get3A_548 = tpu.vector_load %arg9[%get3A_546, %get3A_547] {strides = array<i32>} : memref<256x128xf32, #tpu.memory_space<vmem>>, vector<1x16xf32>,
        %get3A_549 = vector.shape_cast %get3A_548 : vector<1x16xf32> to vector<16xf32>
        %mul3A_550 = vector.broadcast %select_n3A_510 : f32 to vector<16xf32>
        %mul3A_551 = arith.mulf %mul3A_550, %get3A_549 : vector<16xf32>
        %add3A_552 = arith.addf %scan3A_503, %mul3A_551 : vector<16xf32>
        %get3A_553 = arith.index_cast %scan3A_497 : i32 to index
        %get3A_554 = arith.constant 96 : index
        %get3A_555 = tpu.vector_load %arg9[%get3A_553, %get3A_554] {strides = array<i32>} : memref<256x128xf32, #tpu.memory_space<vmem>>, vector<1x16xf32>,
        %get3A_556 = vector.shape_cast %get3A_555 : vector<1x16xf32> to vector<16xf32>
        %mul3A_557 = vector.broadcast %select_n3A_510 : f32 to vector<16xf32>
        %mul3A_558 = arith.mulf %mul3A_557, %get3A_556 : vector<16xf32>
        %add3A_559 = arith.addf %scan3A_504, %mul3A_558 : vector<16xf32>
        %get3A_560 = arith.index_cast %scan3A_497 : i32 to index
        %get3A_561 = arith.constant 112 : index
        %get3A_562 = tpu.vector_load %arg9[%get3A_560, %get3A_561] {strides = array<i32>} : memref<256x128xf32, #tpu.memory_space<vmem>>, vector<1x16xf32>,
        %get3A_563 = vector.shape_cast %get3A_562 : vector<1x16xf32> to vector<16xf32>
        %mul3A_564 = vector.broadcast %select_n3A_510 : f32 to vector<16xf32>
        %mul3A_565 = arith.mulf %mul3A_564, %get3A_563 : vector<16xf32>
        %add3A_566 = arith.addf %scan3A_505, %mul3A_565 : vector<16xf32>
        scf.yield %add3A_517, %add3A_524, %add3A_531, %add3A_538, %add3A_545, %add3A_552, %add3A_559, %add3A_566 : vector<16xf32>, vector<16xf32>, vector<16xf32>, vector<16xf32>, vector<16xf32>, vector<16xf32>, vector<16xf32>, vector<16xf32>
      }
      %scan3A_496 = arith.constant 256 : i32
      scf.yield %scan3A_495#0, %scan3A_495#1, %scan3A_495#2, %scan3A_495#3, %scan3A_495#4, %scan3A_495#5, %scan3A_495#6, %scan3A_495#7 : vector<16xf32>, vector<16xf32>, vector<16xf32>, vector<16xf32>, vector<16xf32>, vector<16xf32>, vector<16xf32>, vector<16xf32>
    }
    %while3A_79 = arith.constant 1 : i32
    %while3A_80:8 = scf.for %while3A_479 = %while3A_76 to %while3A_72 step %while3A_79 iter_args(%while3A_480 = %while3A_78#0, %while3A_481 = %while3A_78#1, %while3A_482 = %while3A_78#2, %while3A_483 = %while3A_78#3, %while3A_484 = %while3A_78#4, %while3A_485 = %while3A_78#5, %while3A_486 = %while3A_78#6, %while3A_487 = %while3A_78#7) -> (vector<16xf32>, vector<16xf32>, vector<16xf32>, vector<16xf32>, vector<16xf32>, vector<16xf32>, vector<16xf32>, vector<16xf32>)  : i32 {
      %mul3A_488 = arith.constant 256 : i32
      %mul3A_489 = arith.muli %while3A_479, %mul3A_488 : i32
      %add3A_490 = arith.addi %mul3A_28, %mul3A_489 : i32
      %min3A = arith.constant 319744 : i32
      %min3A_491 = arith.minsi %add3A_490, %min3A : i32
      %multiple_of3A = tpu.assume_multiple %min3A_491, 8 : i32
      "tpu.region"() ({
        %run_scoped3A = tpu.sem_alloc : memref<!tpu.dma_semaphore, #tpu.memory_space<semaphore_mem>>
        %dma_start3A = arith.constant 0 : i32
        %dma_start3A_497 = tpu.memref_slice %arg2[%multiple_of3A, %dma_start3A] : memref<320000x128xf32, #tpu.memory_space<hbm>> -> memref<256x128xf32, #tpu.memory_space<hbm>>
        %dma_start3A_498 = arith.constant 0 : i32
        %dma_start3A_499 = tpu.memref_slice %arg2[%multiple_of3A, %dma_start3A_498] : memref<320000x128xf32, #tpu.memory_space<hbm>> -> memref<256x128xf32, #tpu.memory_space<hbm>>
        tpu.enqueue_dma source(%dma_start3A_499 : memref<256x128xf32, #tpu.memory_space<hbm>>) target(%arg9 : memref<256x128xf32, #tpu.memory_space<vmem>>) target_semaphore(%run_scoped3A : memref<!tpu.dma_semaphore, #tpu.memory_space<semaphore_mem>>)
        %dma_wait3A = arith.constant 0 : i32
        %dma_wait3A_500 = tpu.memref_slice %arg2[%multiple_of3A, %dma_wait3A] : memref<320000x128xf32, #tpu.memory_space<hbm>> -> memref<256x128xf32, #tpu.memory_space<hbm>>
        %dma_wait3A_501 = arith.constant 0 : i32
        %dma_wait3A_502 = tpu.memref_slice %arg2[%multiple_of3A, %dma_wait3A_501] : memref<320000x128xf32, #tpu.memory_space<hbm>> -> memref<256x128xf32, #tpu.memory_space<hbm>>
        tpu.wait_dma2 semaphore(%run_scoped3A : memref<!tpu.dma_semaphore, #tpu.memory_space<semaphore_mem>>) src(%dma_wait3A_502 : memref<256x128xf32, #tpu.memory_space<hbm>>) dst(%arg9 : memref<256x128xf32, #tpu.memory_space<vmem>>)
        tpu.yield
      }) : () -> ()
      %scan3A = arith.constant 0 : i32
      %scan3A_492 = arith.constant 256 : i32
      %scan3A_493 = arith.addi %scan3A, %scan3A_492 : i32
      %scan3A_494 = arith.constant 1 : i32
      %scan3A_495:8 = scf.for %scan3A_497 = %scan3A to %scan3A_493 step %scan3A_494 iter_args(%scan3A_498 = %while3A_480, %scan3A_499 = %while3A_481, %scan3A_500 = %while3A_482, %scan3A_501 = %while3A_483, %scan3A_502 = %while3A_484, %scan3A_503 = %while3A_485, %scan3A_504 = %while3A_486, %scan3A_505 = %while3A_487) -> (vector<16xf32>, vector<16xf32>, vector<16xf32>, vector<16xf32>, vector<16xf32>, vector<16xf32>, vector<16xf32>, vector<16xf32>)  : i32 {
        %add3A_506 = arith.addi %multiple_of3A, %scan3A_497 : i32
        %ge3A = arith.cmpi sge, %add3A_506, %squeeze3A : i32
        %lt3A = arith.cmpi slt, %add3A_506, %squeeze3A_10 : i32
        %and3A_507 = arith.andi %ge3A, %lt3A : i1
        %jit3A_508 = arith.constant 1.000000e+00 : f32
        %jit3A_509 = arith.constant 0.000000e+00 : f32
        %select_n3A_510 = arith.select %and3A_507, %jit3A_508, %jit3A_509 : f32
        %get3A_511 = arith.index_cast %scan3A_497 : i32 to index
        %get3A_512 = arith.constant 0 : index
        %get3A_513 = tpu.vector_load %arg9[%get3A_511, %get3A_512] {strides = array<i32>} : memref<256x128xf32, #tpu.memory_space<vmem>>, vector<1x16xf32>,
        %get3A_514 = vector.shape_cast %get3A_513 : vector<1x16xf32> to vector<16xf32>
        %mul3A_515 = vector.broadcast %select_n3A_510 : f32 to vector<16xf32>
        %mul3A_516 = arith.mulf %mul3A_515, %get3A_514 : vector<16xf32>
        %add3A_517 = arith.addf %scan3A_498, %mul3A_516 : vector<16xf32>
        %get3A_518 = arith.index_cast %scan3A_497 : i32 to index
        %get3A_519 = arith.constant 16 : index
        %get3A_520 = tpu.vector_load %arg9[%get3A_518, %get3A_519] {strides = array<i32>} : memref<256x128xf32, #tpu.memory_space<vmem>>, vector<1x16xf32>,
        %get3A_521 = vector.shape_cast %get3A_520 : vector<1x16xf32> to vector<16xf32>
        %mul3A_522 = vector.broadcast %select_n3A_510 : f32 to vector<16xf32>
        %mul3A_523 = arith.mulf %mul3A_522, %get3A_521 : vector<16xf32>
        %add3A_524 = arith.addf %scan3A_499, %mul3A_523 : vector<16xf32>
        %get3A_525 = arith.index_cast %scan3A_497 : i32 to index
        %get3A_526 = arith.constant 32 : index
        %get3A_527 = tpu.vector_load %arg9[%get3A_525, %get3A_526] {strides = array<i32>} : memref<256x128xf32, #tpu.memory_space<vmem>>, vector<1x16xf32>,
        %get3A_528 = vector.shape_cast %get3A_527 : vector<1x16xf32> to vector<16xf32>
        %mul3A_529 = vector.broadcast %select_n3A_510 : f32 to vector<16xf32>
        %mul3A_530 = arith.mulf %mul3A_529, %get3A_528 : vector<16xf32>
        %add3A_531 = arith.addf %scan3A_500, %mul3A_530 : vector<16xf32>
        %get3A_532 = arith.index_cast %scan3A_497 : i32 to index
        %get3A_533 = arith.constant 48 : index
        %get3A_534 = tpu.vector_load %arg9[%get3A_532, %get3A_533] {strides = array<i32>} : memref<256x128xf32, #tpu.memory_space<vmem>>, vector<1x16xf32>,
        %get3A_535 = vector.shape_cast %get3A_534 : vector<1x16xf32> to vector<16xf32>
        %mul3A_536 = vector.broadcast %select_n3A_510 : f32 to vector<16xf32>
        %mul3A_537 = arith.mulf %mul3A_536, %get3A_535 : vector<16xf32>
        %add3A_538 = arith.addf %scan3A_501, %mul3A_537 : vector<16xf32>
        %get3A_539 = arith.index_cast %scan3A_497 : i32 to index
        %get3A_540 = arith.constant 64 : index
        %get3A_541 = tpu.vector_load %arg9[%get3A_539, %get3A_540] {strides = array<i32>} : memref<256x128xf32, #tpu.memory_space<vmem>>, vector<1x16xf32>,
        %get3A_542 = vector.shape_cast %get3A_541 : vector<1x16xf32> to vector<16xf32>
        %mul3A_543 = vector.broadcast %select_n3A_510 : f32 to vector<16xf32>
        %mul3A_544 = arith.mulf %mul3A_543, %get3A_542 : vector<16xf32>
        %add3A_545 = arith.addf %scan3A_502, %mul3A_544 : vector<16xf32>
        %get3A_546 = arith.index_cast %scan3A_497 : i32 to index
        %get3A_547 = arith.constant 80 : index
        %get3A_548 = tpu.vector_load %arg9[%get3A_546, %get3A_547] {strides = array<i32>} : memref<256x128xf32, #tpu.memory_space<vmem>>, vector<1x16xf32>,
        %get3A_549 = vector.shape_cast %get3A_548 : vector<1x16xf32> to vector<16xf32>
        %mul3A_550 = vector.broadcast %select_n3A_510 : f32 to vector<16xf32>
        %mul3A_551 = arith.mulf %mul3A_550, %get3A_549 : vector<16xf32>
        %add3A_552 = arith.addf %scan3A_503, %mul3A_551 : vector<16xf32>
        %get3A_553 = arith.index_cast %scan3A_497 : i32 to index
        %get3A_554 = arith.constant 96 : index
        %get3A_555 = tpu.vector_load %arg9[%get3A_553, %get3A_554] {strides = array<i32>} : memref<256x128xf32, #tpu.memory_space<vmem>>, vector<1x16xf32>,
        %get3A_556 = vector.shape_cast %get3A_555 : vector<1x16xf32> to vector<16xf32>
        %mul3A_557 = vector.broadcast %select_n3A_510 : f32 to vector<16xf32>
        %mul3A_558 = arith.mulf %mul3A_557, %get3A_556 : vector<16xf32>
        %add3A_559 = arith.addf %scan3A_504, %mul3A_558 : vector<16xf32>
        %get3A_560 = arith.index_cast %scan3A_497 : i32 to index
        %get3A_561 = arith.constant 112 : index
        %get3A_562 = tpu.vector_load %arg9[%get3A_560, %get3A_561] {strides = array<i32>} : memref<256x128xf32, #tpu.memory_space<vmem>>, vector<1x16xf32>,
        %get3A_563 = vector.shape_cast %get3A_562 : vector<1x16xf32> to vector<16xf32>
        %mul3A_564 = vector.broadcast %select_n3A_510 : f32 to vector<16xf32>
        %mul3A_565 = arith.mulf %mul3A_564, %get3A_563 : vector<16xf32>
        %add3A_566 = arith.addf %scan3A_505, %mul3A_565 : vector<16xf32>
        scf.yield %add3A_517, %add3A_524, %add3A_531, %add3A_538, %add3A_545, %add3A_552, %add3A_559, %add3A_566 : vector<16xf32>, vector<16xf32>, vector<16xf32>, vector<16xf32>, vector<16xf32>, vector<16xf32>, vector<16xf32>, vector<16xf32>
      }
      %scan3A_496 = arith.constant 256 : i32
      scf.yield %scan3A_495#0, %scan3A_495#1, %scan3A_495#2, %scan3A_495#3, %scan3A_495#4, %scan3A_495#5, %scan3A_495#6, %scan3A_495#7 : vector<16xf32>, vector<16xf32>, vector<16xf32>, vector<16xf32>, vector<16xf32>, vector<16xf32>, vector<16xf32>, vector<16xf32>
    }
    %swap3A = arith.constant 0 : index
    %swap3A_81 = tpu.vector_load %arg8[%swap3A] {strides = array<i32>} : memref<128xf32, #tpu.memory_space<vmem>>, vector<16xf32>,
    %swap3A_82 = vector.shape_cast %swap3A_81 : vector<16xf32> to vector<16xf32>
    %swap3A_83 = vector.shape_cast %while3A_80#0 : vector<16xf32> to vector<16xf32>
    tpu.vector_store %arg8[%swap3A], %swap3A_83 {strides = array<i32>} : memref<128xf32, #tpu.memory_space<vmem>>, vector<16xf32>,
    %swap3A_84 = arith.constant 16 : index
    %swap3A_85 = tpu.vector_load %arg8[%swap3A_84] {strides = array<i32>} : memref<128xf32, #tpu.memory_space<vmem>>, vector<16xf32>,
    %swap3A_86 = vector.shape_cast %swap3A_85 : vector<16xf32> to vector<16xf32>
    %swap3A_87 = vector.shape_cast %while3A_80#1 : vector<16xf32> to vector<16xf32>
    tpu.vector_store %arg8[%swap3A_84], %swap3A_87 {strides = array<i32>} : memref<128xf32, #tpu.memory_space<vmem>>, vector<16xf32>,
    %swap3A_88 = arith.constant 32 : index
    %swap3A_89 = tpu.vector_load %arg8[%swap3A_88] {strides = array<i32>} : memref<128xf32, #tpu.memory_space<vmem>>, vector<16xf32>,
    %swap3A_90 = vector.shape_cast %swap3A_89 : vector<16xf32> to vector<16xf32>
    %swap3A_91 = vector.shape_cast %while3A_80#2 : vector<16xf32> to vector<16xf32>
    tpu.vector_store %arg8[%swap3A_88], %swap3A_91 {strides = array<i32>} : memref<128xf32, #tpu.memory_space<vmem>>, vector<16xf32>,
    %swap3A_92 = arith.constant 48 : index
    %swap3A_93 = tpu.vector_load %arg8[%swap3A_92] {strides = array<i32>} : memref<128xf32, #tpu.memory_space<vmem>>, vector<16xf32>,
    %swap3A_94 = vector.shape_cast %swap3A_93 : vector<16xf32> to vector<16xf32>
    %swap3A_95 = vector.shape_cast %while3A_80#3 : vector<16xf32> to vector<16xf32>
    tpu.vector_store %arg8[%swap3A_92], %swap3A_95 {strides = array<i32>} : memref<128xf32, #tpu.memory_space<vmem>>, vector<16xf32>,
    %swap3A_96 = arith.constant 64 : index
    %swap3A_97 = tpu.vector_load %arg8[%swap3A_96] {strides = array<i32>} : memref<128xf32, #tpu.memory_space<vmem>>, vector<16xf32>,
    %swap3A_98 = vector.shape_cast %swap3A_97 : vector<16xf32> to vector<16xf32>
    %swap3A_99 = vector.shape_cast %while3A_80#4 : vector<16xf32> to vector<16xf32>
    tpu.vector_store %arg8[%swap3A_96], %swap3A_99 {strides = array<i32>} : memref<128xf32, #tpu.memory_space<vmem>>, vector<16xf32>,
    %swap3A_100 = arith.constant 80 : index
    %swap3A_101 = tpu.vector_load %arg8[%swap3A_100] {strides = array<i32>} : memref<128xf32, #tpu.memory_space<vmem>>, vector<16xf32>,
    %swap3A_102 = vector.shape_cast %swap3A_101 : vector<16xf32> to vector<16xf32>
    %swap3A_103 = vector.shape_cast %while3A_80#5 : vector<16xf32> to vector<16xf32>
    tpu.vector_store %arg8[%swap3A_100], %swap3A_103 {strides = array<i32>} : memref<128xf32, #tpu.memory_space<vmem>>, vector<16xf32>,
    %swap3A_104 = arith.constant 96 : index
    %swap3A_105 = tpu.vector_load %arg8[%swap3A_104] {strides = array<i32>} : memref<128xf32, #tpu.memory_space<vmem>>, vector<16xf32>,
    %swap3A_106 = vector.shape_cast %swap3A_105 : vector<16xf32> to vector<16xf32>
    %swap3A_107 = vector.shape_cast %while3A_80#6 : vector<16xf32> to vector<16xf32>
    tpu.vector_store %arg8[%swap3A_104], %swap3A_107 {strides = array<i32>} : memref<128xf32, #tpu.memory_space<vmem>>, vector<16xf32>,
    %swap3A_108 = arith.constant 112 : index
    %swap3A_109 = tpu.vector_load %arg8[%swap3A_108] {strides = array<i32>} : memref<128xf32, #tpu.memory_space<vmem>>, vector<16xf32>,
    %swap3A_110 = vector.shape_cast %swap3A_109 : vector<16xf32> to vector<16xf32>
    %swap3A_111 = vector.shape_cast %while3A_80#7 : vector<16xf32> to vector<16xf32>
    tpu.vector_store %arg8[%swap3A_108], %swap3A_111 {strides = array<i32>} : memref<128xf32, #tpu.memory_space<vmem>>, vector<16xf32>,
    "tpu.region"() ({
      %run_scoped3A = tpu.sem_alloc : memref<!tpu.dma_semaphore, #tpu.memory_space<semaphore_mem>>
      %dma_start3A = arith.constant 0 : i32
      %dma_start3A_479 = tpu.memref_slice %arg5[%add3A_4, %dma_start3A] : memref<64x128xf32, #tpu.memory_space<hbm>> -> memref<1x128xf32, #tpu.memory_space<hbm>>
      %dma_start3A_480 = tpu.memref_squeeze %dma_start3A_479 : memref<1x128xf32, #tpu.memory_space<hbm>> -> memref<128xf32, #tpu.memory_space<hbm>>
      %dma_start3A_481 = arith.constant 0 : i32
      %dma_start3A_482 = tpu.memref_slice %arg5[%add3A_4, %dma_start3A_481] : memref<64x128xf32, #tpu.memory_space<hbm>> -> memref<1x128xf32, #tpu.memory_space<hbm>>
      %dma_start3A_483 = tpu.memref_squeeze %dma_start3A_482 : memref<1x128xf32, #tpu.memory_space<hbm>> -> memref<128xf32, #tpu.memory_space<hbm>>
      tpu.enqueue_dma source(%arg8 : memref<128xf32, #tpu.memory_space<vmem>>) target(%dma_start3A_483 : memref<128xf32, #tpu.memory_space<hbm>>) target_semaphore(%run_scoped3A : memref<!tpu.dma_semaphore, #tpu.memory_space<semaphore_mem>>)
      %dma_wait3A = arith.constant 0 : i32
      %dma_wait3A_484 = tpu.memref_slice %arg5[%add3A_4, %dma_wait3A] : memref<64x128xf32, #tpu.memory_space<hbm>> -> memref<1x128xf32, #tpu.memory_space<hbm>>
      %dma_wait3A_485 = tpu.memref_squeeze %dma_wait3A_484 : memref<1x128xf32, #tpu.memory_space<hbm>> -> memref<128xf32, #tpu.memory_space<hbm>>
      %dma_wait3A_486 = arith.constant 0 : i32
      %dma_wait3A_487 = tpu.memref_slice %arg5[%add3A_4, %dma_wait3A_486] : memref<64x128xf32, #tpu.memory_space<hbm>> -> memref<1x128xf32, #tpu.memory_space<hbm>>
      %dma_wait3A_488 = tpu.memref_squeeze %dma_wait3A_487 : memref<1x128xf32, #tpu.memory_space<hbm>> -> memref<128xf32, #tpu.memory_space<hbm>>
      tpu.wait_dma2 semaphore(%run_scoped3A : memref<!tpu.dma_semaphore, #tpu.memory_space<semaphore_mem>>) src(%arg8 : memref<128xf32, #tpu.memory_space<vmem>>) dst(%dma_wait3A_488 : memref<128xf32, #tpu.memory_space<hbm>>)
      tpu.yield
    }) : () -> ()
    %add3A_112 = arith.constant 80 : i32
    %add3A_113 = arith.addi %add3A_112, %add3A_4 : i32
    %get3A_114 = arith.index_cast %add3A_113 : i32 to index
    %get3A_115 = tpu.vector_load %arg7[%get3A_114] {strides = array<i32>} : memref<160xi32, #tpu.memory_space<vmem>>, vector<16xi32>,
    %get3A_116 = vector.shape_cast %get3A_115 : vector<16xi32> to vector<16xi32>
    %slice3A_117 = vector.extract_strided_slice %get3A_116 {offsets = [0], sizes = [1], strides = [1]} : vector<16xi32> to vector<1xi32>
    %squeeze3A_118 = vector.extract %slice3A_117[0] : i32 from vector<1xi32>
    %slice3A_119 = vector.extract_strided_slice %get3A_116 {offsets = [1], sizes = [1], strides = [1]} : vector<16xi32> to vector<1xi32>
    %squeeze3A_120 = vector.extract %slice3A_119[0] : i32 from vector<1xi32>
    %jit3A_121 = arith.constant 8 : i32
    %div3A_122 = arith.divsi %squeeze3A_118, %jit3A_121 : i32
    %sign3A_123 = arith.constant 0 : i32
    %sign3A_124 = arith.cmpi sgt, %squeeze3A_118, %sign3A_123 : i32
    %sign3A_125 = arith.extui %sign3A_124 : i1 to i32
    %sign3A_126 = arith.constant 0 : i32
    %sign3A_127 = arith.cmpi slt, %squeeze3A_118, %sign3A_126 : i32
    %sign3A_128 = arith.extui %sign3A_127 : i1 to i32
    %sign3A_129 = arith.subi %sign3A_125, %sign3A_128 : i32
    %sign3A_130 = arith.constant 0 : i32
    %sign3A_131 = arith.cmpi sgt, %jit3A_121, %sign3A_130 : i32
    %sign3A_132 = arith.extui %sign3A_131 : i1 to i32
    %sign3A_133 = arith.constant 0 : i32
    %sign3A_134 = arith.cmpi slt, %jit3A_121, %sign3A_133 : i32
    %sign3A_135 = arith.extui %sign3A_134 : i1 to i32
    %sign3A_136 = arith.subi %sign3A_132, %sign3A_135 : i32
    %ne3A_137 = arith.cmpi ne, %sign3A_129, %sign3A_136 : i32
    %rem3A_138 = arith.remsi %squeeze3A_118, %jit3A_121 : i32
    %ne3A_139 = arith.constant 0 : i32
    %ne3A_140 = arith.cmpi ne, %rem3A_138, %ne3A_139 : i32
    %and3A_141 = arith.andi %ne3A_137, %ne3A_140 : i1
    %sub3A_142 = arith.constant 1 : i32
    %sub3A_143 = arith.subi %div3A_122, %sub3A_142 : i32
    %select_n3A_144 = arith.select %and3A_141, %sub3A_143, %div3A_122 : i32
    %mul3A_145 = arith.constant 8 : i32
    %mul3A_146 = arith.muli %select_n3A_144, %mul3A_145 : i32
    %sub3A_147 = arith.subi %squeeze3A_120, %mul3A_146 : i32
    %add3A_148 = arith.constant 255 : i32
    %add3A_149 = arith.addi %sub3A_147, %add3A_148 : i32
    %jit3A_150 = arith.constant 256 : i32
    %div3A_151 = arith.divsi %add3A_149, %jit3A_150 : i32
    %sign3A_152 = arith.constant 0 : i32
    %sign3A_153 = arith.cmpi sgt, %add3A_149, %sign3A_152 : i32
    %sign3A_154 = arith.extui %sign3A_153 : i1 to i32
    %sign3A_155 = arith.constant 0 : i32
    %sign3A_156 = arith.cmpi slt, %add3A_149, %sign3A_155 : i32
    %sign3A_157 = arith.extui %sign3A_156 : i1 to i32
    %sign3A_158 = arith.subi %sign3A_154, %sign3A_157 : i32
    %sign3A_159 = arith.constant 0 : i32
    %sign3A_160 = arith.cmpi sgt, %jit3A_150, %sign3A_159 : i32
    %sign3A_161 = arith.extui %sign3A_160 : i1 to i32
    %sign3A_162 = arith.constant 0 : i32
    %sign3A_163 = arith.cmpi slt, %jit3A_150, %sign3A_162 : i32
    %sign3A_164 = arith.extui %sign3A_163 : i1 to i32
    %sign3A_165 = arith.subi %sign3A_161, %sign3A_164 : i32
    %ne3A_166 = arith.cmpi ne, %sign3A_158, %sign3A_165 : i32
    %rem3A_167 = arith.remsi %add3A_149, %jit3A_150 : i32
    %ne3A_168 = arith.constant 0 : i32
    %ne3A_169 = arith.cmpi ne, %rem3A_167, %ne3A_168 : i32
    %and3A_170 = arith.andi %ne3A_166, %ne3A_169 : i1
    %sub3A_171 = arith.constant 1 : i32
    %sub3A_172 = arith.subi %div3A_151, %sub3A_171 : i32
    %select_n3A_173 = arith.select %and3A_170, %sub3A_172, %div3A_151 : i32
    %broadcast_in_dim3A_174 = arith.constant 0.000000e+00 : f32
    %broadcast_in_dim3A_175 = vector.broadcast %broadcast_in_dim3A_174 : f32 to vector<16xf32>
    %broadcast_in_dim3A_176 = arith.constant 0.000000e+00 : f32
    %broadcast_in_dim3A_177 = vector.broadcast %broadcast_in_dim3A_176 : f32 to vector<16xf32>
    %broadcast_in_dim3A_178 = arith.constant 0.000000e+00 : f32
    %broadcast_in_dim3A_179 = vector.broadcast %broadcast_in_dim3A_178 : f32 to vector<16xf32>
    %broadcast_in_dim3A_180 = arith.constant 0.000000e+00 : f32
    %broadcast_in_dim3A_181 = vector.broadcast %broadcast_in_dim3A_180 : f32 to vector<16xf32>
    %broadcast_in_dim3A_182 = arith.constant 0.000000e+00 : f32
    %broadcast_in_dim3A_183 = vector.broadcast %broadcast_in_dim3A_182 : f32 to vector<16xf32>
    %broadcast_in_dim3A_184 = arith.constant 0.000000e+00 : f32
    %broadcast_in_dim3A_185 = vector.broadcast %broadcast_in_dim3A_184 : f32 to vector<16xf32>
    %broadcast_in_dim3A_186 = arith.constant 0.000000e+00 : f32
    %broadcast_in_dim3A_187 = vector.broadcast %broadcast_in_dim3A_186 : f32 to vector<16xf32>
    %broadcast_in_dim3A_188 = arith.constant 0.000000e+00 : f32
    %broadcast_in_dim3A_189 = vector.broadcast %broadcast_in_dim3A_188 : f32 to vector<16xf32>
    %while3A_190 = arith.constant 0 : i32
    %while3A_191 = arith.subi %select_n3A_173, %while3A_190 : i32
    %while3A_192 = arith.addi %while3A_190, %while3A_191 : i32
    %while3A_193 = arith.constant 1 : i32
    %while3A_194 = arith.divsi %while3A_191, %while3A_193 : i32
    %while3A_195 = arith.muli %while3A_194, %while3A_193 : i32
    %while3A_196 = arith.addi %while3A_190, %while3A_195 : i32
    %while3A_197 = arith.constant 1 : i32
    %while3A_198:8 = scf.for %while3A_479 = %while3A_190 to %while3A_196 step %while3A_197 iter_args(%while3A_480 = %broadcast_in_dim3A_175, %while3A_481 = %broadcast_in_dim3A_177, %while3A_482 = %broadcast_in_dim3A_179, %while3A_483 = %broadcast_in_dim3A_181, %while3A_484 = %broadcast_in_dim3A_183, %while3A_485 = %broadcast_in_dim3A_185, %while3A_486 = %broadcast_in_dim3A_187, %while3A_487 = %broadcast_in_dim3A_189) -> (vector<16xf32>, vector<16xf32>, vector<16xf32>, vector<16xf32>, vector<16xf32>, vector<16xf32>, vector<16xf32>, vector<16xf32>)  : i32 {
      %mul3A_488 = arith.constant 256 : i32
      %mul3A_489 = arith.muli %while3A_479, %mul3A_488 : i32
      %add3A_490 = arith.addi %mul3A_146, %mul3A_489 : i32
      %min3A = arith.constant 49744 : i32
      %min3A_491 = arith.minsi %add3A_490, %min3A : i32
      %multiple_of3A = tpu.assume_multiple %min3A_491, 8 : i32
      "tpu.region"() ({
        %run_scoped3A = tpu.sem_alloc : memref<!tpu.dma_semaphore, #tpu.memory_space<semaphore_mem>>
        %dma_start3A = arith.constant 0 : i32
        %dma_start3A_497 = tpu.memref_slice %arg3[%multiple_of3A, %dma_start3A] : memref<50000x128xf32, #tpu.memory_space<hbm>> -> memref<256x128xf32, #tpu.memory_space<hbm>>
        %dma_start3A_498 = arith.constant 0 : i32
        %dma_start3A_499 = tpu.memref_slice %arg3[%multiple_of3A, %dma_start3A_498] : memref<50000x128xf32, #tpu.memory_space<hbm>> -> memref<256x128xf32, #tpu.memory_space<hbm>>
        tpu.enqueue_dma source(%dma_start3A_499 : memref<256x128xf32, #tpu.memory_space<hbm>>) target(%arg9 : memref<256x128xf32, #tpu.memory_space<vmem>>) target_semaphore(%run_scoped3A : memref<!tpu.dma_semaphore, #tpu.memory_space<semaphore_mem>>)
        %dma_wait3A = arith.constant 0 : i32
        %dma_wait3A_500 = tpu.memref_slice %arg3[%multiple_of3A, %dma_wait3A] : memref<50000x128xf32, #tpu.memory_space<hbm>> -> memref<256x128xf32, #tpu.memory_space<hbm>>
        %dma_wait3A_501 = arith.constant 0 : i32
        %dma_wait3A_502 = tpu.memref_slice %arg3[%multiple_of3A, %dma_wait3A_501] : memref<50000x128xf32, #tpu.memory_space<hbm>> -> memref<256x128xf32, #tpu.memory_space<hbm>>
        tpu.wait_dma2 semaphore(%run_scoped3A : memref<!tpu.dma_semaphore, #tpu.memory_space<semaphore_mem>>) src(%dma_wait3A_502 : memref<256x128xf32, #tpu.memory_space<hbm>>) dst(%arg9 : memref<256x128xf32, #tpu.memory_space<vmem>>)
        tpu.yield
      }) : () -> ()
      %scan3A = arith.constant 0 : i32
      %scan3A_492 = arith.constant 256 : i32
      %scan3A_493 = arith.addi %scan3A, %scan3A_492 : i32
      %scan3A_494 = arith.constant 1 : i32
      %scan3A_495:8 = scf.for %scan3A_497 = %scan3A to %scan3A_493 step %scan3A_494 iter_args(%scan3A_498 = %while3A_480, %scan3A_499 = %while3A_481, %scan3A_500 = %while3A_482, %scan3A_501 = %while3A_483, %scan3A_502 = %while3A_484, %scan3A_503 = %while3A_485, %scan3A_504 = %while3A_486, %scan3A_505 = %while3A_487) -> (vector<16xf32>, vector<16xf32>, vector<16xf32>, vector<16xf32>, vector<16xf32>, vector<16xf32>, vector<16xf32>, vector<16xf32>)  : i32 {
        %add3A_506 = arith.addi %multiple_of3A, %scan3A_497 : i32
        %ge3A = arith.cmpi sge, %add3A_506, %squeeze3A_118 : i32
        %lt3A = arith.cmpi slt, %add3A_506, %squeeze3A_120 : i32
        %and3A_507 = arith.andi %ge3A, %lt3A : i1
        %jit3A_508 = arith.constant 1.000000e+00 : f32
        %jit3A_509 = arith.constant 0.000000e+00 : f32
        %select_n3A_510 = arith.select %and3A_507, %jit3A_508, %jit3A_509 : f32
        %get3A_511 = arith.index_cast %scan3A_497 : i32 to index
        %get3A_512 = arith.constant 0 : index
        %get3A_513 = tpu.vector_load %arg9[%get3A_511, %get3A_512] {strides = array<i32>} : memref<256x128xf32, #tpu.memory_space<vmem>>, vector<1x16xf32>,
        %get3A_514 = vector.shape_cast %get3A_513 : vector<1x16xf32> to vector<16xf32>
        %mul3A_515 = vector.broadcast %select_n3A_510 : f32 to vector<16xf32>
        %mul3A_516 = arith.mulf %mul3A_515, %get3A_514 : vector<16xf32>
        %add3A_517 = arith.addf %scan3A_498, %mul3A_516 : vector<16xf32>
        %get3A_518 = arith.index_cast %scan3A_497 : i32 to index
        %get3A_519 = arith.constant 16 : index
        %get3A_520 = tpu.vector_load %arg9[%get3A_518, %get3A_519] {strides = array<i32>} : memref<256x128xf32, #tpu.memory_space<vmem>>, vector<1x16xf32>,
        %get3A_521 = vector.shape_cast %get3A_520 : vector<1x16xf32> to vector<16xf32>
        %mul3A_522 = vector.broadcast %select_n3A_510 : f32 to vector<16xf32>
        %mul3A_523 = arith.mulf %mul3A_522, %get3A_521 : vector<16xf32>
        %add3A_524 = arith.addf %scan3A_499, %mul3A_523 : vector<16xf32>
        %get3A_525 = arith.index_cast %scan3A_497 : i32 to index
        %get3A_526 = arith.constant 32 : index
        %get3A_527 = tpu.vector_load %arg9[%get3A_525, %get3A_526] {strides = array<i32>} : memref<256x128xf32, #tpu.memory_space<vmem>>, vector<1x16xf32>,
        %get3A_528 = vector.shape_cast %get3A_527 : vector<1x16xf32> to vector<16xf32>
        %mul3A_529 = vector.broadcast %select_n3A_510 : f32 to vector<16xf32>
        %mul3A_530 = arith.mulf %mul3A_529, %get3A_528 : vector<16xf32>
        %add3A_531 = arith.addf %scan3A_500, %mul3A_530 : vector<16xf32>
        %get3A_532 = arith.index_cast %scan3A_497 : i32 to index
        %get3A_533 = arith.constant 48 : index
        %get3A_534 = tpu.vector_load %arg9[%get3A_532, %get3A_533] {strides = array<i32>} : memref<256x128xf32, #tpu.memory_space<vmem>>, vector<1x16xf32>,
        %get3A_535 = vector.shape_cast %get3A_534 : vector<1x16xf32> to vector<16xf32>
        %mul3A_536 = vector.broadcast %select_n3A_510 : f32 to vector<16xf32>
        %mul3A_537 = arith.mulf %mul3A_536, %get3A_535 : vector<16xf32>
        %add3A_538 = arith.addf %scan3A_501, %mul3A_537 : vector<16xf32>
        %get3A_539 = arith.index_cast %scan3A_497 : i32 to index
        %get3A_540 = arith.constant 64 : index
        %get3A_541 = tpu.vector_load %arg9[%get3A_539, %get3A_540] {strides = array<i32>} : memref<256x128xf32, #tpu.memory_space<vmem>>, vector<1x16xf32>,
        %get3A_542 = vector.shape_cast %get3A_541 : vector<1x16xf32> to vector<16xf32>
        %mul3A_543 = vector.broadcast %select_n3A_510 : f32 to vector<16xf32>
        %mul3A_544 = arith.mulf %mul3A_543, %get3A_542 : vector<16xf32>
        %add3A_545 = arith.addf %scan3A_502, %mul3A_544 : vector<16xf32>
        %get3A_546 = arith.index_cast %scan3A_497 : i32 to index
        %get3A_547 = arith.constant 80 : index
        %get3A_548 = tpu.vector_load %arg9[%get3A_546, %get3A_547] {strides = array<i32>} : memref<256x128xf32, #tpu.memory_space<vmem>>, vector<1x16xf32>,
        %get3A_549 = vector.shape_cast %get3A_548 : vector<1x16xf32> to vector<16xf32>
        %mul3A_550 = vector.broadcast %select_n3A_510 : f32 to vector<16xf32>
        %mul3A_551 = arith.mulf %mul3A_550, %get3A_549 : vector<16xf32>
        %add3A_552 = arith.addf %scan3A_503, %mul3A_551 : vector<16xf32>
        %get3A_553 = arith.index_cast %scan3A_497 : i32 to index
        %get3A_554 = arith.constant 96 : index
        %get3A_555 = tpu.vector_load %arg9[%get3A_553, %get3A_554] {strides = array<i32>} : memref<256x128xf32, #tpu.memory_space<vmem>>, vector<1x16xf32>,
        %get3A_556 = vector.shape_cast %get3A_555 : vector<1x16xf32> to vector<16xf32>
        %mul3A_557 = vector.broadcast %select_n3A_510 : f32 to vector<16xf32>
        %mul3A_558 = arith.mulf %mul3A_557, %get3A_556 : vector<16xf32>
        %add3A_559 = arith.addf %scan3A_504, %mul3A_558 : vector<16xf32>
        %get3A_560 = arith.index_cast %scan3A_497 : i32 to index
        %get3A_561 = arith.constant 112 : index
        %get3A_562 = tpu.vector_load %arg9[%get3A_560, %get3A_561] {strides = array<i32>} : memref<256x128xf32, #tpu.memory_space<vmem>>, vector<1x16xf32>,
        %get3A_563 = vector.shape_cast %get3A_562 : vector<1x16xf32> to vector<16xf32>
        %mul3A_564 = vector.broadcast %select_n3A_510 : f32 to vector<16xf32>
        %mul3A_565 = arith.mulf %mul3A_564, %get3A_563 : vector<16xf32>
        %add3A_566 = arith.addf %scan3A_505, %mul3A_565 : vector<16xf32>
        scf.yield %add3A_517, %add3A_524, %add3A_531, %add3A_538, %add3A_545, %add3A_552, %add3A_559, %add3A_566 : vector<16xf32>, vector<16xf32>, vector<16xf32>, vector<16xf32>, vector<16xf32>, vector<16xf32>, vector<16xf32>, vector<16xf32>
      }
      %scan3A_496 = arith.constant 256 : i32
      scf.yield %scan3A_495#0, %scan3A_495#1, %scan3A_495#2, %scan3A_495#3, %scan3A_495#4, %scan3A_495#5, %scan3A_495#6, %scan3A_495#7 : vector<16xf32>, vector<16xf32>, vector<16xf32>, vector<16xf32>, vector<16xf32>, vector<16xf32>, vector<16xf32>, vector<16xf32>
    }
    %while3A_199 = arith.constant 1 : i32
    %while3A_200:8 = scf.for %while3A_479 = %while3A_196 to %while3A_192 step %while3A_199 iter_args(%while3A_480 = %while3A_198#0, %while3A_481 = %while3A_198#1, %while3A_482 = %while3A_198#2, %while3A_483 = %while3A_198#3, %while3A_484 = %while3A_198#4, %while3A_485 = %while3A_198#5, %while3A_486 = %while3A_198#6, %while3A_487 = %while3A_198#7) -> (vector<16xf32>, vector<16xf32>, vector<16xf32>, vector<16xf32>, vector<16xf32>, vector<16xf32>, vector<16xf32>, vector<16xf32>)  : i32 {
      %mul3A_488 = arith.constant 256 : i32
      %mul3A_489 = arith.muli %while3A_479, %mul3A_488 : i32
      %add3A_490 = arith.addi %mul3A_146, %mul3A_489 : i32
      %min3A = arith.constant 49744 : i32
      %min3A_491 = arith.minsi %add3A_490, %min3A : i32
      %multiple_of3A = tpu.assume_multiple %min3A_491, 8 : i32
      "tpu.region"() ({
        %run_scoped3A = tpu.sem_alloc : memref<!tpu.dma_semaphore, #tpu.memory_space<semaphore_mem>>
        %dma_start3A = arith.constant 0 : i32
        %dma_start3A_497 = tpu.memref_slice %arg3[%multiple_of3A, %dma_start3A] : memref<50000x128xf32, #tpu.memory_space<hbm>> -> memref<256x128xf32, #tpu.memory_space<hbm>>
        %dma_start3A_498 = arith.constant 0 : i32
        %dma_start3A_499 = tpu.memref_slice %arg3[%multiple_of3A, %dma_start3A_498] : memref<50000x128xf32, #tpu.memory_space<hbm>> -> memref<256x128xf32, #tpu.memory_space<hbm>>
        tpu.enqueue_dma source(%dma_start3A_499 : memref<256x128xf32, #tpu.memory_space<hbm>>) target(%arg9 : memref<256x128xf32, #tpu.memory_space<vmem>>) target_semaphore(%run_scoped3A : memref<!tpu.dma_semaphore, #tpu.memory_space<semaphore_mem>>)
        %dma_wait3A = arith.constant 0 : i32
        %dma_wait3A_500 = tpu.memref_slice %arg3[%multiple_of3A, %dma_wait3A] : memref<50000x128xf32, #tpu.memory_space<hbm>> -> memref<256x128xf32, #tpu.memory_space<hbm>>
        %dma_wait3A_501 = arith.constant 0 : i32
        %dma_wait3A_502 = tpu.memref_slice %arg3[%multiple_of3A, %dma_wait3A_501] : memref<50000x128xf32, #tpu.memory_space<hbm>> -> memref<256x128xf32, #tpu.memory_space<hbm>>
        tpu.wait_dma2 semaphore(%run_scoped3A : memref<!tpu.dma_semaphore, #tpu.memory_space<semaphore_mem>>) src(%dma_wait3A_502 : memref<256x128xf32, #tpu.memory_space<hbm>>) dst(%arg9 : memref<256x128xf32, #tpu.memory_space<vmem>>)
        tpu.yield
      }) : () -> ()
      %scan3A = arith.constant 0 : i32
      %scan3A_492 = arith.constant 256 : i32
      %scan3A_493 = arith.addi %scan3A, %scan3A_492 : i32
      %scan3A_494 = arith.constant 1 : i32
      %scan3A_495:8 = scf.for %scan3A_497 = %scan3A to %scan3A_493 step %scan3A_494 iter_args(%scan3A_498 = %while3A_480, %scan3A_499 = %while3A_481, %scan3A_500 = %while3A_482, %scan3A_501 = %while3A_483, %scan3A_502 = %while3A_484, %scan3A_503 = %while3A_485, %scan3A_504 = %while3A_486, %scan3A_505 = %while3A_487) -> (vector<16xf32>, vector<16xf32>, vector<16xf32>, vector<16xf32>, vector<16xf32>, vector<16xf32>, vector<16xf32>, vector<16xf32>)  : i32 {
        %add3A_506 = arith.addi %multiple_of3A, %scan3A_497 : i32
        %ge3A = arith.cmpi sge, %add3A_506, %squeeze3A_118 : i32
        %lt3A = arith.cmpi slt, %add3A_506, %squeeze3A_120 : i32
        %and3A_507 = arith.andi %ge3A, %lt3A : i1
        %jit3A_508 = arith.constant 1.000000e+00 : f32
        %jit3A_509 = arith.constant 0.000000e+00 : f32
        %select_n3A_510 = arith.select %and3A_507, %jit3A_508, %jit3A_509 : f32
        %get3A_511 = arith.index_cast %scan3A_497 : i32 to index
        %get3A_512 = arith.constant 0 : index
        %get3A_513 = tpu.vector_load %arg9[%get3A_511, %get3A_512] {strides = array<i32>} : memref<256x128xf32, #tpu.memory_space<vmem>>, vector<1x16xf32>,
        %get3A_514 = vector.shape_cast %get3A_513 : vector<1x16xf32> to vector<16xf32>
        %mul3A_515 = vector.broadcast %select_n3A_510 : f32 to vector<16xf32>
        %mul3A_516 = arith.mulf %mul3A_515, %get3A_514 : vector<16xf32>
        %add3A_517 = arith.addf %scan3A_498, %mul3A_516 : vector<16xf32>
        %get3A_518 = arith.index_cast %scan3A_497 : i32 to index
        %get3A_519 = arith.constant 16 : index
        %get3A_520 = tpu.vector_load %arg9[%get3A_518, %get3A_519] {strides = array<i32>} : memref<256x128xf32, #tpu.memory_space<vmem>>, vector<1x16xf32>,
        %get3A_521 = vector.shape_cast %get3A_520 : vector<1x16xf32> to vector<16xf32>
        %mul3A_522 = vector.broadcast %select_n3A_510 : f32 to vector<16xf32>
        %mul3A_523 = arith.mulf %mul3A_522, %get3A_521 : vector<16xf32>
        %add3A_524 = arith.addf %scan3A_499, %mul3A_523 : vector<16xf32>
        %get3A_525 = arith.index_cast %scan3A_497 : i32 to index
        %get3A_526 = arith.constant 32 : index
        %get3A_527 = tpu.vector_load %arg9[%get3A_525, %get3A_526] {strides = array<i32>} : memref<256x128xf32, #tpu.memory_space<vmem>>, vector<1x16xf32>,
        %get3A_528 = vector.shape_cast %get3A_527 : vector<1x16xf32> to vector<16xf32>
        %mul3A_529 = vector.broadcast %select_n3A_510 : f32 to vector<16xf32>
        %mul3A_530 = arith.mulf %mul3A_529, %get3A_528 : vector<16xf32>
        %add3A_531 = arith.addf %scan3A_500, %mul3A_530 : vector<16xf32>
        %get3A_532 = arith.index_cast %scan3A_497 : i32 to index
        %get3A_533 = arith.constant 48 : index
        %get3A_534 = tpu.vector_load %arg9[%get3A_532, %get3A_533] {strides = array<i32>} : memref<256x128xf32, #tpu.memory_space<vmem>>, vector<1x16xf32>,
        %get3A_535 = vector.shape_cast %get3A_534 : vector<1x16xf32> to vector<16xf32>
        %mul3A_536 = vector.broadcast %select_n3A_510 : f32 to vector<16xf32>
        %mul3A_537 = arith.mulf %mul3A_536, %get3A_535 : vector<16xf32>
        %add3A_538 = arith.addf %scan3A_501, %mul3A_537 : vector<16xf32>
        %get3A_539 = arith.index_cast %scan3A_497 : i32 to index
        %get3A_540 = arith.constant 64 : index
        %get3A_541 = tpu.vector_load %arg9[%get3A_539, %get3A_540] {strides = array<i32>} : memref<256x128xf32, #tpu.memory_space<vmem>>, vector<1x16xf32>,
        %get3A_542 = vector.shape_cast %get3A_541 : vector<1x16xf32> to vector<16xf32>
        %mul3A_543 = vector.broadcast %select_n3A_510 : f32 to vector<16xf32>
        %mul3A_544 = arith.mulf %mul3A_543, %get3A_542 : vector<16xf32>
        %add3A_545 = arith.addf %scan3A_502, %mul3A_544 : vector<16xf32>
        %get3A_546 = arith.index_cast %scan3A_497 : i32 to index
        %get3A_547 = arith.constant 80 : index
        %get3A_548 = tpu.vector_load %arg9[%get3A_546, %get3A_547] {strides = array<i32>} : memref<256x128xf32, #tpu.memory_space<vmem>>, vector<1x16xf32>,
        %get3A_549 = vector.shape_cast %get3A_548 : vector<1x16xf32> to vector<16xf32>
        %mul3A_550 = vector.broadcast %select_n3A_510 : f32 to vector<16xf32>
        %mul3A_551 = arith.mulf %mul3A_550, %get3A_549 : vector<16xf32>
        %add3A_552 = arith.addf %scan3A_503, %mul3A_551 : vector<16xf32>
        %get3A_553 = arith.index_cast %scan3A_497 : i32 to index
        %get3A_554 = arith.constant 96 : index
        %get3A_555 = tpu.vector_load %arg9[%get3A_553, %get3A_554] {strides = array<i32>} : memref<256x128xf32, #tpu.memory_space<vmem>>, vector<1x16xf32>,
        %get3A_556 = vector.shape_cast %get3A_555 : vector<1x16xf32> to vector<16xf32>
        %mul3A_557 = vector.broadcast %select_n3A_510 : f32 to vector<16xf32>
        %mul3A_558 = arith.mulf %mul3A_557, %get3A_556 : vector<16xf32>
        %add3A_559 = arith.addf %scan3A_504, %mul3A_558 : vector<16xf32>
        %get3A_560 = arith.index_cast %scan3A_497 : i32 to index
        %get3A_561 = arith.constant 112 : index
        %get3A_562 = tpu.vector_load %arg9[%get3A_560, %get3A_561] {strides = array<i32>} : memref<256x128xf32, #tpu.memory_space<vmem>>, vector<1x16xf32>,
        %get3A_563 = vector.shape_cast %get3A_562 : vector<1x16xf32> to vector<16xf32>
        %mul3A_564 = vector.broadcast %select_n3A_510 : f32 to vector<16xf32>
        %mul3A_565 = arith.mulf %mul3A_564, %get3A_563 : vector<16xf32>
        %add3A_566 = arith.addf %scan3A_505, %mul3A_565 : vector<16xf32>
        scf.yield %add3A_517, %add3A_524, %add3A_531, %add3A_538, %add3A_545, %add3A_552, %add3A_559, %add3A_566 : vector<16xf32>, vector<16xf32>, vector<16xf32>, vector<16xf32>, vector<16xf32>, vector<16xf32>, vector<16xf32>, vector<16xf32>
      }
      %scan3A_496 = arith.constant 256 : i32
      scf.yield %scan3A_495#0, %scan3A_495#1, %scan3A_495#2, %scan3A_495#3, %scan3A_495#4, %scan3A_495#5, %scan3A_495#6, %scan3A_495#7 : vector<16xf32>, vector<16xf32>, vector<16xf32>, vector<16xf32>, vector<16xf32>, vector<16xf32>, vector<16xf32>, vector<16xf32>
    }
    %swap3A_201 = arith.constant 0 : index
    %swap3A_202 = tpu.vector_load %arg8[%swap3A_201] {strides = array<i32>} : memref<128xf32, #tpu.memory_space<vmem>>, vector<16xf32>,
    %swap3A_203 = vector.shape_cast %swap3A_202 : vector<16xf32> to vector<16xf32>
    %swap3A_204 = vector.shape_cast %while3A_200#0 : vector<16xf32> to vector<16xf32>
    tpu.vector_store %arg8[%swap3A_201], %swap3A_204 {strides = array<i32>} : memref<128xf32, #tpu.memory_space<vmem>>, vector<16xf32>,
    %swap3A_205 = arith.constant 16 : index
    %swap3A_206 = tpu.vector_load %arg8[%swap3A_205] {strides = array<i32>} : memref<128xf32, #tpu.memory_space<vmem>>, vector<16xf32>,
    %swap3A_207 = vector.shape_cast %swap3A_206 : vector<16xf32> to vector<16xf32>
    %swap3A_208 = vector.shape_cast %while3A_200#1 : vector<16xf32> to vector<16xf32>
    tpu.vector_store %arg8[%swap3A_205], %swap3A_208 {strides = array<i32>} : memref<128xf32, #tpu.memory_space<vmem>>, vector<16xf32>,
    %swap3A_209 = arith.constant 32 : index
    %swap3A_210 = tpu.vector_load %arg8[%swap3A_209] {strides = array<i32>} : memref<128xf32, #tpu.memory_space<vmem>>, vector<16xf32>,
    %swap3A_211 = vector.shape_cast %swap3A_210 : vector<16xf32> to vector<16xf32>
    %swap3A_212 = vector.shape_cast %while3A_200#2 : vector<16xf32> to vector<16xf32>
    tpu.vector_store %arg8[%swap3A_209], %swap3A_212 {strides = array<i32>} : memref<128xf32, #tpu.memory_space<vmem>>, vector<16xf32>,
    %swap3A_213 = arith.constant 48 : index
    %swap3A_214 = tpu.vector_load %arg8[%swap3A_213] {strides = array<i32>} : memref<128xf32, #tpu.memory_space<vmem>>, vector<16xf32>,
    %swap3A_215 = vector.shape_cast %swap3A_214 : vector<16xf32> to vector<16xf32>
    %swap3A_216 = vector.shape_cast %while3A_200#3 : vector<16xf32> to vector<16xf32>
    tpu.vector_store %arg8[%swap3A_213], %swap3A_216 {strides = array<i32>} : memref<128xf32, #tpu.memory_space<vmem>>, vector<16xf32>,
    %swap3A_217 = arith.constant 64 : index
    %swap3A_218 = tpu.vector_load %arg8[%swap3A_217] {strides = array<i32>} : memref<128xf32, #tpu.memory_space<vmem>>, vector<16xf32>,
    %swap3A_219 = vector.shape_cast %swap3A_218 : vector<16xf32> to vector<16xf32>
    %swap3A_220 = vector.shape_cast %while3A_200#4 : vector<16xf32> to vector<16xf32>
    tpu.vector_store %arg8[%swap3A_217], %swap3A_220 {strides = array<i32>} : memref<128xf32, #tpu.memory_space<vmem>>, vector<16xf32>,
    %swap3A_221 = arith.constant 80 : index
    %swap3A_222 = tpu.vector_load %arg8[%swap3A_221] {strides = array<i32>} : memref<128xf32, #tpu.memory_space<vmem>>, vector<16xf32>,
    %swap3A_223 = vector.shape_cast %swap3A_222 : vector<16xf32> to vector<16xf32>
    %swap3A_224 = vector.shape_cast %while3A_200#5 : vector<16xf32> to vector<16xf32>
    tpu.vector_store %arg8[%swap3A_221], %swap3A_224 {strides = array<i32>} : memref<128xf32, #tpu.memory_space<vmem>>, vector<16xf32>,
    %swap3A_225 = arith.constant 96 : index
    %swap3A_226 = tpu.vector_load %arg8[%swap3A_225] {strides = array<i32>} : memref<128xf32, #tpu.memory_space<vmem>>, vector<16xf32>,
    %swap3A_227 = vector.shape_cast %swap3A_226 : vector<16xf32> to vector<16xf32>
    %swap3A_228 = vector.shape_cast %while3A_200#6 : vector<16xf32> to vector<16xf32>
    tpu.vector_store %arg8[%swap3A_225], %swap3A_228 {strides = array<i32>} : memref<128xf32, #tpu.memory_space<vmem>>, vector<16xf32>,
    %swap3A_229 = arith.constant 112 : index
    %swap3A_230 = tpu.vector_load %arg8[%swap3A_229] {strides = array<i32>} : memref<128xf32, #tpu.memory_space<vmem>>, vector<16xf32>,
    %swap3A_231 = vector.shape_cast %swap3A_230 : vector<16xf32> to vector<16xf32>
    %swap3A_232 = vector.shape_cast %while3A_200#7 : vector<16xf32> to vector<16xf32>
    tpu.vector_store %arg8[%swap3A_229], %swap3A_232 {strides = array<i32>} : memref<128xf32, #tpu.memory_space<vmem>>, vector<16xf32>,
    "tpu.region"() ({
      %run_scoped3A = tpu.sem_alloc : memref<!tpu.dma_semaphore, #tpu.memory_space<semaphore_mem>>
      %dma_start3A = arith.constant 0 : i32
      %dma_start3A_479 = tpu.memref_slice %arg6[%add3A_4, %dma_start3A] : memref<64x128xf32, #tpu.memory_space<hbm>> -> memref<1x128xf32, #tpu.memory_space<hbm>>
      %dma_start3A_480 = tpu.memref_squeeze %dma_start3A_479 : memref<1x128xf32, #tpu.memory_space<hbm>> -> memref<128xf32, #tpu.memory_space<hbm>>
      %dma_start3A_481 = arith.constant 0 : i32
      %dma_start3A_482 = tpu.memref_slice %arg6[%add3A_4, %dma_start3A_481] : memref<64x128xf32, #tpu.memory_space<hbm>> -> memref<1x128xf32, #tpu.memory_space<hbm>>
      %dma_start3A_483 = tpu.memref_squeeze %dma_start3A_482 : memref<1x128xf32, #tpu.memory_space<hbm>> -> memref<128xf32, #tpu.memory_space<hbm>>
      tpu.enqueue_dma source(%arg8 : memref<128xf32, #tpu.memory_space<vmem>>) target(%dma_start3A_483 : memref<128xf32, #tpu.memory_space<hbm>>) target_semaphore(%run_scoped3A : memref<!tpu.dma_semaphore, #tpu.memory_space<semaphore_mem>>)
      %dma_wait3A = arith.constant 0 : i32
      %dma_wait3A_484 = tpu.memref_slice %arg6[%add3A_4, %dma_wait3A] : memref<64x128xf32, #tpu.memory_space<hbm>> -> memref<1x128xf32, #tpu.memory_space<hbm>>
      %dma_wait3A_485 = tpu.memref_squeeze %dma_wait3A_484 : memref<1x128xf32, #tpu.memory_space<hbm>> -> memref<128xf32, #tpu.memory_space<hbm>>
      %dma_wait3A_486 = arith.constant 0 : i32
      %dma_wait3A_487 = tpu.memref_slice %arg6[%add3A_4, %dma_wait3A_486] : memref<64x128xf32, #tpu.memory_space<hbm>> -> memref<1x128xf32, #tpu.memory_space<hbm>>
      %dma_wait3A_488 = tpu.memref_squeeze %dma_wait3A_487 : memref<1x128xf32, #tpu.memory_space<hbm>> -> memref<128xf32, #tpu.memory_space<hbm>>
      tpu.wait_dma2 semaphore(%run_scoped3A : memref<!tpu.dma_semaphore, #tpu.memory_space<semaphore_mem>>) src(%arg8 : memref<128xf32, #tpu.memory_space<vmem>>) dst(%dma_wait3A_488 : memref<128xf32, #tpu.memory_space<hbm>>)
      tpu.yield
    }) : () -> ()
    %mul3A_233 = arith.constant 2 : i32
    %mul3A_234 = arith.muli %add3A, %mul3A_233 : i32
    %add3A_235 = arith.constant 1 : i32
    %add3A_236 = arith.addi %mul3A_234, %add3A_235 : i32
    %add3A_237 = arith.constant 0 : i32
    %add3A_238 = arith.addi %add3A_237, %add3A_236 : i32
    %get3A_239 = arith.index_cast %add3A_238 : i32 to index
    %get3A_240 = tpu.vector_load %arg7[%get3A_239] {strides = array<i32>} : memref<160xi32, #tpu.memory_space<vmem>>, vector<16xi32>,
    %get3A_241 = vector.shape_cast %get3A_240 : vector<16xi32> to vector<16xi32>
    %slice3A_242 = vector.extract_strided_slice %get3A_241 {offsets = [0], sizes = [1], strides = [1]} : vector<16xi32> to vector<1xi32>
    %squeeze3A_243 = vector.extract %slice3A_242[0] : i32 from vector<1xi32>
    %slice3A_244 = vector.extract_strided_slice %get3A_241 {offsets = [1], sizes = [1], strides = [1]} : vector<16xi32> to vector<1xi32>
    %squeeze3A_245 = vector.extract %slice3A_244[0] : i32 from vector<1xi32>
    %jit3A_246 = arith.constant 8 : i32
    %div3A_247 = arith.divsi %squeeze3A_243, %jit3A_246 : i32
    %sign3A_248 = arith.constant 0 : i32
    %sign3A_249 = arith.cmpi sgt, %squeeze3A_243, %sign3A_248 : i32
    %sign3A_250 = arith.extui %sign3A_249 : i1 to i32
    %sign3A_251 = arith.constant 0 : i32
    %sign3A_252 = arith.cmpi slt, %squeeze3A_243, %sign3A_251 : i32
    %sign3A_253 = arith.extui %sign3A_252 : i1 to i32
    %sign3A_254 = arith.subi %sign3A_250, %sign3A_253 : i32
    %sign3A_255 = arith.constant 0 : i32
    %sign3A_256 = arith.cmpi sgt, %jit3A_246, %sign3A_255 : i32
    %sign3A_257 = arith.extui %sign3A_256 : i1 to i32
    %sign3A_258 = arith.constant 0 : i32
    %sign3A_259 = arith.cmpi slt, %jit3A_246, %sign3A_258 : i32
    %sign3A_260 = arith.extui %sign3A_259 : i1 to i32
    %sign3A_261 = arith.subi %sign3A_257, %sign3A_260 : i32
    %ne3A_262 = arith.cmpi ne, %sign3A_254, %sign3A_261 : i32
    %rem3A_263 = arith.remsi %squeeze3A_243, %jit3A_246 : i32
    %ne3A_264 = arith.constant 0 : i32
    %ne3A_265 = arith.cmpi ne, %rem3A_263, %ne3A_264 : i32
    %and3A_266 = arith.andi %ne3A_262, %ne3A_265 : i1
    %sub3A_267 = arith.constant 1 : i32
    %sub3A_268 = arith.subi %div3A_247, %sub3A_267 : i32
    %select_n3A_269 = arith.select %and3A_266, %sub3A_268, %div3A_247 : i32
    %mul3A_270 = arith.constant 8 : i32
    %mul3A_271 = arith.muli %select_n3A_269, %mul3A_270 : i32
    %sub3A_272 = arith.subi %squeeze3A_245, %mul3A_271 : i32
    %add3A_273 = arith.constant 255 : i32
    %add3A_274 = arith.addi %sub3A_272, %add3A_273 : i32
    %jit3A_275 = arith.constant 256 : i32
    %div3A_276 = arith.divsi %add3A_274, %jit3A_275 : i32
    %sign3A_277 = arith.constant 0 : i32
    %sign3A_278 = arith.cmpi sgt, %add3A_274, %sign3A_277 : i32
    %sign3A_279 = arith.extui %sign3A_278 : i1 to i32
    %sign3A_280 = arith.constant 0 : i32
    %sign3A_281 = arith.cmpi slt, %add3A_274, %sign3A_280 : i32
    %sign3A_282 = arith.extui %sign3A_281 : i1 to i32
    %sign3A_283 = arith.subi %sign3A_279, %sign3A_282 : i32
    %sign3A_284 = arith.constant 0 : i32
    %sign3A_285 = arith.cmpi sgt, %jit3A_275, %sign3A_284 : i32
    %sign3A_286 = arith.extui %sign3A_285 : i1 to i32
    %sign3A_287 = arith.constant 0 : i32
    %sign3A_288 = arith.cmpi slt, %jit3A_275, %sign3A_287 : i32
    %sign3A_289 = arith.extui %sign3A_288 : i1 to i32
    %sign3A_290 = arith.subi %sign3A_286, %sign3A_289 : i32
    %ne3A_291 = arith.cmpi ne, %sign3A_283, %sign3A_290 : i32
    %rem3A_292 = arith.remsi %add3A_274, %jit3A_275 : i32
    %ne3A_293 = arith.constant 0 : i32
    %ne3A_294 = arith.cmpi ne, %rem3A_292, %ne3A_293 : i32
    %and3A_295 = arith.andi %ne3A_291, %ne3A_294 : i1
    %sub3A_296 = arith.constant 1 : i32
    %sub3A_297 = arith.subi %div3A_276, %sub3A_296 : i32
    %select_n3A_298 = arith.select %and3A_295, %sub3A_297, %div3A_276 : i32
    %broadcast_in_dim3A_299 = arith.constant 0.000000e+00 : f32
    %broadcast_in_dim3A_300 = vector.broadcast %broadcast_in_dim3A_299 : f32 to vector<16xf32>
    %broadcast_in_dim3A_301 = arith.constant 0.000000e+00 : f32
    %broadcast_in_dim3A_302 = vector.broadcast %broadcast_in_dim3A_301 : f32 to vector<16xf32>
    %broadcast_in_dim3A_303 = arith.constant 0.000000e+00 : f32
    %broadcast_in_dim3A_304 = vector.broadcast %broadcast_in_dim3A_303 : f32 to vector<16xf32>
    %broadcast_in_dim3A_305 = arith.constant 0.000000e+00 : f32
    %broadcast_in_dim3A_306 = vector.broadcast %broadcast_in_dim3A_305 : f32 to vector<16xf32>
    %broadcast_in_dim3A_307 = arith.constant 0.000000e+00 : f32
    %broadcast_in_dim3A_308 = vector.broadcast %broadcast_in_dim3A_307 : f32 to vector<16xf32>
    %broadcast_in_dim3A_309 = arith.constant 0.000000e+00 : f32
    %broadcast_in_dim3A_310 = vector.broadcast %broadcast_in_dim3A_309 : f32 to vector<16xf32>
    %broadcast_in_dim3A_311 = arith.constant 0.000000e+00 : f32
    %broadcast_in_dim3A_312 = vector.broadcast %broadcast_in_dim3A_311 : f32 to vector<16xf32>
    %broadcast_in_dim3A_313 = arith.constant 0.000000e+00 : f32
    %broadcast_in_dim3A_314 = vector.broadcast %broadcast_in_dim3A_313 : f32 to vector<16xf32>
    %while3A_315 = arith.constant 0 : i32
    %while3A_316 = arith.subi %select_n3A_298, %while3A_315 : i32
    %while3A_317 = arith.addi %while3A_315, %while3A_316 : i32
    %while3A_318 = arith.constant 1 : i32
    %while3A_319 = arith.divsi %while3A_316, %while3A_318 : i32
    %while3A_320 = arith.muli %while3A_319, %while3A_318 : i32
    %while3A_321 = arith.addi %while3A_315, %while3A_320 : i32
    %while3A_322 = arith.constant 1 : i32
    %while3A_323:8 = scf.for %while3A_479 = %while3A_315 to %while3A_321 step %while3A_322 iter_args(%while3A_480 = %broadcast_in_dim3A_300, %while3A_481 = %broadcast_in_dim3A_302, %while3A_482 = %broadcast_in_dim3A_304, %while3A_483 = %broadcast_in_dim3A_306, %while3A_484 = %broadcast_in_dim3A_308, %while3A_485 = %broadcast_in_dim3A_310, %while3A_486 = %broadcast_in_dim3A_312, %while3A_487 = %broadcast_in_dim3A_314) -> (vector<16xf32>, vector<16xf32>, vector<16xf32>, vector<16xf32>, vector<16xf32>, vector<16xf32>, vector<16xf32>, vector<16xf32>)  : i32 {
      %mul3A_488 = arith.constant 256 : i32
      %mul3A_489 = arith.muli %while3A_479, %mul3A_488 : i32
      %add3A_490 = arith.addi %mul3A_271, %mul3A_489 : i32
      %min3A = arith.constant 319744 : i32
      %min3A_491 = arith.minsi %add3A_490, %min3A : i32
      %multiple_of3A = tpu.assume_multiple %min3A_491, 8 : i32
      "tpu.region"() ({
        %run_scoped3A = tpu.sem_alloc : memref<!tpu.dma_semaphore, #tpu.memory_space<semaphore_mem>>
        %dma_start3A = arith.constant 0 : i32
        %dma_start3A_497 = tpu.memref_slice %arg2[%multiple_of3A, %dma_start3A] : memref<320000x128xf32, #tpu.memory_space<hbm>> -> memref<256x128xf32, #tpu.memory_space<hbm>>
        %dma_start3A_498 = arith.constant 0 : i32
        %dma_start3A_499 = tpu.memref_slice %arg2[%multiple_of3A, %dma_start3A_498] : memref<320000x128xf32, #tpu.memory_space<hbm>> -> memref<256x128xf32, #tpu.memory_space<hbm>>
        tpu.enqueue_dma source(%dma_start3A_499 : memref<256x128xf32, #tpu.memory_space<hbm>>) target(%arg9 : memref<256x128xf32, #tpu.memory_space<vmem>>) target_semaphore(%run_scoped3A : memref<!tpu.dma_semaphore, #tpu.memory_space<semaphore_mem>>)
        %dma_wait3A = arith.constant 0 : i32
        %dma_wait3A_500 = tpu.memref_slice %arg2[%multiple_of3A, %dma_wait3A] : memref<320000x128xf32, #tpu.memory_space<hbm>> -> memref<256x128xf32, #tpu.memory_space<hbm>>
        %dma_wait3A_501 = arith.constant 0 : i32
        %dma_wait3A_502 = tpu.memref_slice %arg2[%multiple_of3A, %dma_wait3A_501] : memref<320000x128xf32, #tpu.memory_space<hbm>> -> memref<256x128xf32, #tpu.memory_space<hbm>>
        tpu.wait_dma2 semaphore(%run_scoped3A : memref<!tpu.dma_semaphore, #tpu.memory_space<semaphore_mem>>) src(%dma_wait3A_502 : memref<256x128xf32, #tpu.memory_space<hbm>>) dst(%arg9 : memref<256x128xf32, #tpu.memory_space<vmem>>)
        tpu.yield
      }) : () -> ()
      %scan3A = arith.constant 0 : i32
      %scan3A_492 = arith.constant 256 : i32
      %scan3A_493 = arith.addi %scan3A, %scan3A_492 : i32
      %scan3A_494 = arith.constant 1 : i32
      %scan3A_495:8 = scf.for %scan3A_497 = %scan3A to %scan3A_493 step %scan3A_494 iter_args(%scan3A_498 = %while3A_480, %scan3A_499 = %while3A_481, %scan3A_500 = %while3A_482, %scan3A_501 = %while3A_483, %scan3A_502 = %while3A_484, %scan3A_503 = %while3A_485, %scan3A_504 = %while3A_486, %scan3A_505 = %while3A_487) -> (vector<16xf32>, vector<16xf32>, vector<16xf32>, vector<16xf32>, vector<16xf32>, vector<16xf32>, vector<16xf32>, vector<16xf32>)  : i32 {
        %add3A_506 = arith.addi %multiple_of3A, %scan3A_497 : i32
        %ge3A = arith.cmpi sge, %add3A_506, %squeeze3A_243 : i32
        %lt3A = arith.cmpi slt, %add3A_506, %squeeze3A_245 : i32
        %and3A_507 = arith.andi %ge3A, %lt3A : i1
        %jit3A_508 = arith.constant 1.000000e+00 : f32
        %jit3A_509 = arith.constant 0.000000e+00 : f32
        %select_n3A_510 = arith.select %and3A_507, %jit3A_508, %jit3A_509 : f32
        %get3A_511 = arith.index_cast %scan3A_497 : i32 to index
        %get3A_512 = arith.constant 0 : index
        %get3A_513 = tpu.vector_load %arg9[%get3A_511, %get3A_512] {strides = array<i32>} : memref<256x128xf32, #tpu.memory_space<vmem>>, vector<1x16xf32>,
        %get3A_514 = vector.shape_cast %get3A_513 : vector<1x16xf32> to vector<16xf32>
        %mul3A_515 = vector.broadcast %select_n3A_510 : f32 to vector<16xf32>
        %mul3A_516 = arith.mulf %mul3A_515, %get3A_514 : vector<16xf32>
        %add3A_517 = arith.addf %scan3A_498, %mul3A_516 : vector<16xf32>
        %get3A_518 = arith.index_cast %scan3A_497 : i32 to index
        %get3A_519 = arith.constant 16 : index
        %get3A_520 = tpu.vector_load %arg9[%get3A_518, %get3A_519] {strides = array<i32>} : memref<256x128xf32, #tpu.memory_space<vmem>>, vector<1x16xf32>,
        %get3A_521 = vector.shape_cast %get3A_520 : vector<1x16xf32> to vector<16xf32>
        %mul3A_522 = vector.broadcast %select_n3A_510 : f32 to vector<16xf32>
        %mul3A_523 = arith.mulf %mul3A_522, %get3A_521 : vector<16xf32>
        %add3A_524 = arith.addf %scan3A_499, %mul3A_523 : vector<16xf32>
        %get3A_525 = arith.index_cast %scan3A_497 : i32 to index
        %get3A_526 = arith.constant 32 : index
        %get3A_527 = tpu.vector_load %arg9[%get3A_525, %get3A_526] {strides = array<i32>} : memref<256x128xf32, #tpu.memory_space<vmem>>, vector<1x16xf32>,
        %get3A_528 = vector.shape_cast %get3A_527 : vector<1x16xf32> to vector<16xf32>
        %mul3A_529 = vector.broadcast %select_n3A_510 : f32 to vector<16xf32>
        %mul3A_530 = arith.mulf %mul3A_529, %get3A_528 : vector<16xf32>
        %add3A_531 = arith.addf %scan3A_500, %mul3A_530 : vector<16xf32>
        %get3A_532 = arith.index_cast %scan3A_497 : i32 to index
        %get3A_533 = arith.constant 48 : index
        %get3A_534 = tpu.vector_load %arg9[%get3A_532, %get3A_533] {strides = array<i32>} : memref<256x128xf32, #tpu.memory_space<vmem>>, vector<1x16xf32>,
        %get3A_535 = vector.shape_cast %get3A_534 : vector<1x16xf32> to vector<16xf32>
        %mul3A_536 = vector.broadcast %select_n3A_510 : f32 to vector<16xf32>
        %mul3A_537 = arith.mulf %mul3A_536, %get3A_535 : vector<16xf32>
        %add3A_538 = arith.addf %scan3A_501, %mul3A_537 : vector<16xf32>
        %get3A_539 = arith.index_cast %scan3A_497 : i32 to index
        %get3A_540 = arith.constant 64 : index
        %get3A_541 = tpu.vector_load %arg9[%get3A_539, %get3A_540] {strides = array<i32>} : memref<256x128xf32, #tpu.memory_space<vmem>>, vector<1x16xf32>,
        %get3A_542 = vector.shape_cast %get3A_541 : vector<1x16xf32> to vector<16xf32>
        %mul3A_543 = vector.broadcast %select_n3A_510 : f32 to vector<16xf32>
        %mul3A_544 = arith.mulf %mul3A_543, %get3A_542 : vector<16xf32>
        %add3A_545 = arith.addf %scan3A_502, %mul3A_544 : vector<16xf32>
        %get3A_546 = arith.index_cast %scan3A_497 : i32 to index
        %get3A_547 = arith.constant 80 : index
        %get3A_548 = tpu.vector_load %arg9[%get3A_546, %get3A_547] {strides = array<i32>} : memref<256x128xf32, #tpu.memory_space<vmem>>, vector<1x16xf32>,
        %get3A_549 = vector.shape_cast %get3A_548 : vector<1x16xf32> to vector<16xf32>
        %mul3A_550 = vector.broadcast %select_n3A_510 : f32 to vector<16xf32>
        %mul3A_551 = arith.mulf %mul3A_550, %get3A_549 : vector<16xf32>
        %add3A_552 = arith.addf %scan3A_503, %mul3A_551 : vector<16xf32>
        %get3A_553 = arith.index_cast %scan3A_497 : i32 to index
        %get3A_554 = arith.constant 96 : index
        %get3A_555 = tpu.vector_load %arg9[%get3A_553, %get3A_554] {strides = array<i32>} : memref<256x128xf32, #tpu.memory_space<vmem>>, vector<1x16xf32>,
        %get3A_556 = vector.shape_cast %get3A_555 : vector<1x16xf32> to vector<16xf32>
        %mul3A_557 = vector.broadcast %select_n3A_510 : f32 to vector<16xf32>
        %mul3A_558 = arith.mulf %mul3A_557, %get3A_556 : vector<16xf32>
        %add3A_559 = arith.addf %scan3A_504, %mul3A_558 : vector<16xf32>
        %get3A_560 = arith.index_cast %scan3A_497 : i32 to index
        %get3A_561 = arith.constant 112 : index
        %get3A_562 = tpu.vector_load %arg9[%get3A_560, %get3A_561] {strides = array<i32>} : memref<256x128xf32, #tpu.memory_space<vmem>>, vector<1x16xf32>,
        %get3A_563 = vector.shape_cast %get3A_562 : vector<1x16xf32> to vector<16xf32>
        %mul3A_564 = vector.broadcast %select_n3A_510 : f32 to vector<16xf32>
        %mul3A_565 = arith.mulf %mul3A_564, %get3A_563 : vector<16xf32>
        %add3A_566 = arith.addf %scan3A_505, %mul3A_565 : vector<16xf32>
        scf.yield %add3A_517, %add3A_524, %add3A_531, %add3A_538, %add3A_545, %add3A_552, %add3A_559, %add3A_566 : vector<16xf32>, vector<16xf32>, vector<16xf32>, vector<16xf32>, vector<16xf32>, vector<16xf32>, vector<16xf32>, vector<16xf32>
      }
      %scan3A_496 = arith.constant 256 : i32
      scf.yield %scan3A_495#0, %scan3A_495#1, %scan3A_495#2, %scan3A_495#3, %scan3A_495#4, %scan3A_495#5, %scan3A_495#6, %scan3A_495#7 : vector<16xf32>, vector<16xf32>, vector<16xf32>, vector<16xf32>, vector<16xf32>, vector<16xf32>, vector<16xf32>, vector<16xf32>
    }
    %while3A_324 = arith.constant 1 : i32
    %while3A_325:8 = scf.for %while3A_479 = %while3A_321 to %while3A_317 step %while3A_324 iter_args(%while3A_480 = %while3A_323#0, %while3A_481 = %while3A_323#1, %while3A_482 = %while3A_323#2, %while3A_483 = %while3A_323#3, %while3A_484 = %while3A_323#4, %while3A_485 = %while3A_323#5, %while3A_486 = %while3A_323#6, %while3A_487 = %while3A_323#7) -> (vector<16xf32>, vector<16xf32>, vector<16xf32>, vector<16xf32>, vector<16xf32>, vector<16xf32>, vector<16xf32>, vector<16xf32>)  : i32 {
      %mul3A_488 = arith.constant 256 : i32
      %mul3A_489 = arith.muli %while3A_479, %mul3A_488 : i32
      %add3A_490 = arith.addi %mul3A_271, %mul3A_489 : i32
      %min3A = arith.constant 319744 : i32
      %min3A_491 = arith.minsi %add3A_490, %min3A : i32
      %multiple_of3A = tpu.assume_multiple %min3A_491, 8 : i32
      "tpu.region"() ({
        %run_scoped3A = tpu.sem_alloc : memref<!tpu.dma_semaphore, #tpu.memory_space<semaphore_mem>>
        %dma_start3A = arith.constant 0 : i32
        %dma_start3A_497 = tpu.memref_slice %arg2[%multiple_of3A, %dma_start3A] : memref<320000x128xf32, #tpu.memory_space<hbm>> -> memref<256x128xf32, #tpu.memory_space<hbm>>
        %dma_start3A_498 = arith.constant 0 : i32
        %dma_start3A_499 = tpu.memref_slice %arg2[%multiple_of3A, %dma_start3A_498] : memref<320000x128xf32, #tpu.memory_space<hbm>> -> memref<256x128xf32, #tpu.memory_space<hbm>>
        tpu.enqueue_dma source(%dma_start3A_499 : memref<256x128xf32, #tpu.memory_space<hbm>>) target(%arg9 : memref<256x128xf32, #tpu.memory_space<vmem>>) target_semaphore(%run_scoped3A : memref<!tpu.dma_semaphore, #tpu.memory_space<semaphore_mem>>)
        %dma_wait3A = arith.constant 0 : i32
        %dma_wait3A_500 = tpu.memref_slice %arg2[%multiple_of3A, %dma_wait3A] : memref<320000x128xf32, #tpu.memory_space<hbm>> -> memref<256x128xf32, #tpu.memory_space<hbm>>
        %dma_wait3A_501 = arith.constant 0 : i32
        %dma_wait3A_502 = tpu.memref_slice %arg2[%multiple_of3A, %dma_wait3A_501] : memref<320000x128xf32, #tpu.memory_space<hbm>> -> memref<256x128xf32, #tpu.memory_space<hbm>>
        tpu.wait_dma2 semaphore(%run_scoped3A : memref<!tpu.dma_semaphore, #tpu.memory_space<semaphore_mem>>) src(%dma_wait3A_502 : memref<256x128xf32, #tpu.memory_space<hbm>>) dst(%arg9 : memref<256x128xf32, #tpu.memory_space<vmem>>)
        tpu.yield
      }) : () -> ()
      %scan3A = arith.constant 0 : i32
      %scan3A_492 = arith.constant 256 : i32
      %scan3A_493 = arith.addi %scan3A, %scan3A_492 : i32
      %scan3A_494 = arith.constant 1 : i32
      %scan3A_495:8 = scf.for %scan3A_497 = %scan3A to %scan3A_493 step %scan3A_494 iter_args(%scan3A_498 = %while3A_480, %scan3A_499 = %while3A_481, %scan3A_500 = %while3A_482, %scan3A_501 = %while3A_483, %scan3A_502 = %while3A_484, %scan3A_503 = %while3A_485, %scan3A_504 = %while3A_486, %scan3A_505 = %while3A_487) -> (vector<16xf32>, vector<16xf32>, vector<16xf32>, vector<16xf32>, vector<16xf32>, vector<16xf32>, vector<16xf32>, vector<16xf32>)  : i32 {
        %add3A_506 = arith.addi %multiple_of3A, %scan3A_497 : i32
        %ge3A = arith.cmpi sge, %add3A_506, %squeeze3A_243 : i32
        %lt3A = arith.cmpi slt, %add3A_506, %squeeze3A_245 : i32
        %and3A_507 = arith.andi %ge3A, %lt3A : i1
        %jit3A_508 = arith.constant 1.000000e+00 : f32
        %jit3A_509 = arith.constant 0.000000e+00 : f32
        %select_n3A_510 = arith.select %and3A_507, %jit3A_508, %jit3A_509 : f32
        %get3A_511 = arith.index_cast %scan3A_497 : i32 to index
        %get3A_512 = arith.constant 0 : index
        %get3A_513 = tpu.vector_load %arg9[%get3A_511, %get3A_512] {strides = array<i32>} : memref<256x128xf32, #tpu.memory_space<vmem>>, vector<1x16xf32>,
        %get3A_514 = vector.shape_cast %get3A_513 : vector<1x16xf32> to vector<16xf32>
        %mul3A_515 = vector.broadcast %select_n3A_510 : f32 to vector<16xf32>
        %mul3A_516 = arith.mulf %mul3A_515, %get3A_514 : vector<16xf32>
        %add3A_517 = arith.addf %scan3A_498, %mul3A_516 : vector<16xf32>
        %get3A_518 = arith.index_cast %scan3A_497 : i32 to index
        %get3A_519 = arith.constant 16 : index
        %get3A_520 = tpu.vector_load %arg9[%get3A_518, %get3A_519] {strides = array<i32>} : memref<256x128xf32, #tpu.memory_space<vmem>>, vector<1x16xf32>,
        %get3A_521 = vector.shape_cast %get3A_520 : vector<1x16xf32> to vector<16xf32>
        %mul3A_522 = vector.broadcast %select_n3A_510 : f32 to vector<16xf32>
        %mul3A_523 = arith.mulf %mul3A_522, %get3A_521 : vector<16xf32>
        %add3A_524 = arith.addf %scan3A_499, %mul3A_523 : vector<16xf32>
        %get3A_525 = arith.index_cast %scan3A_497 : i32 to index
        %get3A_526 = arith.constant 32 : index
        %get3A_527 = tpu.vector_load %arg9[%get3A_525, %get3A_526] {strides = array<i32>} : memref<256x128xf32, #tpu.memory_space<vmem>>, vector<1x16xf32>,
        %get3A_528 = vector.shape_cast %get3A_527 : vector<1x16xf32> to vector<16xf32>
        %mul3A_529 = vector.broadcast %select_n3A_510 : f32 to vector<16xf32>
        %mul3A_530 = arith.mulf %mul3A_529, %get3A_528 : vector<16xf32>
        %add3A_531 = arith.addf %scan3A_500, %mul3A_530 : vector<16xf32>
        %get3A_532 = arith.index_cast %scan3A_497 : i32 to index
        %get3A_533 = arith.constant 48 : index
        %get3A_534 = tpu.vector_load %arg9[%get3A_532, %get3A_533] {strides = array<i32>} : memref<256x128xf32, #tpu.memory_space<vmem>>, vector<1x16xf32>,
        %get3A_535 = vector.shape_cast %get3A_534 : vector<1x16xf32> to vector<16xf32>
        %mul3A_536 = vector.broadcast %select_n3A_510 : f32 to vector<16xf32>
        %mul3A_537 = arith.mulf %mul3A_536, %get3A_535 : vector<16xf32>
        %add3A_538 = arith.addf %scan3A_501, %mul3A_537 : vector<16xf32>
        %get3A_539 = arith.index_cast %scan3A_497 : i32 to index
        %get3A_540 = arith.constant 64 : index
        %get3A_541 = tpu.vector_load %arg9[%get3A_539, %get3A_540] {strides = array<i32>} : memref<256x128xf32, #tpu.memory_space<vmem>>, vector<1x16xf32>,
        %get3A_542 = vector.shape_cast %get3A_541 : vector<1x16xf32> to vector<16xf32>
        %mul3A_543 = vector.broadcast %select_n3A_510 : f32 to vector<16xf32>
        %mul3A_544 = arith.mulf %mul3A_543, %get3A_542 : vector<16xf32>
        %add3A_545 = arith.addf %scan3A_502, %mul3A_544 : vector<16xf32>
        %get3A_546 = arith.index_cast %scan3A_497 : i32 to index
        %get3A_547 = arith.constant 80 : index
        %get3A_548 = tpu.vector_load %arg9[%get3A_546, %get3A_547] {strides = array<i32>} : memref<256x128xf32, #tpu.memory_space<vmem>>, vector<1x16xf32>,
        %get3A_549 = vector.shape_cast %get3A_548 : vector<1x16xf32> to vector<16xf32>
        %mul3A_550 = vector.broadcast %select_n3A_510 : f32 to vector<16xf32>
        %mul3A_551 = arith.mulf %mul3A_550, %get3A_549 : vector<16xf32>
        %add3A_552 = arith.addf %scan3A_503, %mul3A_551 : vector<16xf32>
        %get3A_553 = arith.index_cast %scan3A_497 : i32 to index
        %get3A_554 = arith.constant 96 : index
        %get3A_555 = tpu.vector_load %arg9[%get3A_553, %get3A_554] {strides = array<i32>} : memref<256x128xf32, #tpu.memory_space<vmem>>, vector<1x16xf32>,
        %get3A_556 = vector.shape_cast %get3A_555 : vector<1x16xf32> to vector<16xf32>
        %mul3A_557 = vector.broadcast %select_n3A_510 : f32 to vector<16xf32>
        %mul3A_558 = arith.mulf %mul3A_557, %get3A_556 : vector<16xf32>
        %add3A_559 = arith.addf %scan3A_504, %mul3A_558 : vector<16xf32>
        %get3A_560 = arith.index_cast %scan3A_497 : i32 to index
        %get3A_561 = arith.constant 112 : index
        %get3A_562 = tpu.vector_load %arg9[%get3A_560, %get3A_561] {strides = array<i32>} : memref<256x128xf32, #tpu.memory_space<vmem>>, vector<1x16xf32>,
        %get3A_563 = vector.shape_cast %get3A_562 : vector<1x16xf32> to vector<16xf32>
        %mul3A_564 = vector.broadcast %select_n3A_510 : f32 to vector<16xf32>
        %mul3A_565 = arith.mulf %mul3A_564, %get3A_563 : vector<16xf32>
        %add3A_566 = arith.addf %scan3A_505, %mul3A_565 : vector<16xf32>
        scf.yield %add3A_517, %add3A_524, %add3A_531, %add3A_538, %add3A_545, %add3A_552, %add3A_559, %add3A_566 : vector<16xf32>, vector<16xf32>, vector<16xf32>, vector<16xf32>, vector<16xf32>, vector<16xf32>, vector<16xf32>, vector<16xf32>
      }
      %scan3A_496 = arith.constant 256 : i32
      scf.yield %scan3A_495#0, %scan3A_495#1, %scan3A_495#2, %scan3A_495#3, %scan3A_495#4, %scan3A_495#5, %scan3A_495#6, %scan3A_495#7 : vector<16xf32>, vector<16xf32>, vector<16xf32>, vector<16xf32>, vector<16xf32>, vector<16xf32>, vector<16xf32>, vector<16xf32>
    }
    %swap3A_326 = arith.constant 0 : index
    %swap3A_327 = tpu.vector_load %arg8[%swap3A_326] {strides = array<i32>} : memref<128xf32, #tpu.memory_space<vmem>>, vector<16xf32>,
    %swap3A_328 = vector.shape_cast %swap3A_327 : vector<16xf32> to vector<16xf32>
    %swap3A_329 = vector.shape_cast %while3A_325#0 : vector<16xf32> to vector<16xf32>
    tpu.vector_store %arg8[%swap3A_326], %swap3A_329 {strides = array<i32>} : memref<128xf32, #tpu.memory_space<vmem>>, vector<16xf32>,
    %swap3A_330 = arith.constant 16 : index
    %swap3A_331 = tpu.vector_load %arg8[%swap3A_330] {strides = array<i32>} : memref<128xf32, #tpu.memory_space<vmem>>, vector<16xf32>,
    %swap3A_332 = vector.shape_cast %swap3A_331 : vector<16xf32> to vector<16xf32>
    %swap3A_333 = vector.shape_cast %while3A_325#1 : vector<16xf32> to vector<16xf32>
    tpu.vector_store %arg8[%swap3A_330], %swap3A_333 {strides = array<i32>} : memref<128xf32, #tpu.memory_space<vmem>>, vector<16xf32>,
    %swap3A_334 = arith.constant 32 : index
    %swap3A_335 = tpu.vector_load %arg8[%swap3A_334] {strides = array<i32>} : memref<128xf32, #tpu.memory_space<vmem>>, vector<16xf32>,
    %swap3A_336 = vector.shape_cast %swap3A_335 : vector<16xf32> to vector<16xf32>
    %swap3A_337 = vector.shape_cast %while3A_325#2 : vector<16xf32> to vector<16xf32>
    tpu.vector_store %arg8[%swap3A_334], %swap3A_337 {strides = array<i32>} : memref<128xf32, #tpu.memory_space<vmem>>, vector<16xf32>,
    %swap3A_338 = arith.constant 48 : index
    %swap3A_339 = tpu.vector_load %arg8[%swap3A_338] {strides = array<i32>} : memref<128xf32, #tpu.memory_space<vmem>>, vector<16xf32>,
    %swap3A_340 = vector.shape_cast %swap3A_339 : vector<16xf32> to vector<16xf32>
    %swap3A_341 = vector.shape_cast %while3A_325#3 : vector<16xf32> to vector<16xf32>
    tpu.vector_store %arg8[%swap3A_338], %swap3A_341 {strides = array<i32>} : memref<128xf32, #tpu.memory_space<vmem>>, vector<16xf32>,
    %swap3A_342 = arith.constant 64 : index
    %swap3A_343 = tpu.vector_load %arg8[%swap3A_342] {strides = array<i32>} : memref<128xf32, #tpu.memory_space<vmem>>, vector<16xf32>,
    %swap3A_344 = vector.shape_cast %swap3A_343 : vector<16xf32> to vector<16xf32>
    %swap3A_345 = vector.shape_cast %while3A_325#4 : vector<16xf32> to vector<16xf32>
    tpu.vector_store %arg8[%swap3A_342], %swap3A_345 {strides = array<i32>} : memref<128xf32, #tpu.memory_space<vmem>>, vector<16xf32>,
    %swap3A_346 = arith.constant 80 : index
    %swap3A_347 = tpu.vector_load %arg8[%swap3A_346] {strides = array<i32>} : memref<128xf32, #tpu.memory_space<vmem>>, vector<16xf32>,
    %swap3A_348 = vector.shape_cast %swap3A_347 : vector<16xf32> to vector<16xf32>
    %swap3A_349 = vector.shape_cast %while3A_325#5 : vector<16xf32> to vector<16xf32>
    tpu.vector_store %arg8[%swap3A_346], %swap3A_349 {strides = array<i32>} : memref<128xf32, #tpu.memory_space<vmem>>, vector<16xf32>,
    %swap3A_350 = arith.constant 96 : index
    %swap3A_351 = tpu.vector_load %arg8[%swap3A_350] {strides = array<i32>} : memref<128xf32, #tpu.memory_space<vmem>>, vector<16xf32>,
    %swap3A_352 = vector.shape_cast %swap3A_351 : vector<16xf32> to vector<16xf32>
    %swap3A_353 = vector.shape_cast %while3A_325#6 : vector<16xf32> to vector<16xf32>
    tpu.vector_store %arg8[%swap3A_350], %swap3A_353 {strides = array<i32>} : memref<128xf32, #tpu.memory_space<vmem>>, vector<16xf32>,
    %swap3A_354 = arith.constant 112 : index
    %swap3A_355 = tpu.vector_load %arg8[%swap3A_354] {strides = array<i32>} : memref<128xf32, #tpu.memory_space<vmem>>, vector<16xf32>,
    %swap3A_356 = vector.shape_cast %swap3A_355 : vector<16xf32> to vector<16xf32>
    %swap3A_357 = vector.shape_cast %while3A_325#7 : vector<16xf32> to vector<16xf32>
    tpu.vector_store %arg8[%swap3A_354], %swap3A_357 {strides = array<i32>} : memref<128xf32, #tpu.memory_space<vmem>>, vector<16xf32>,
    "tpu.region"() ({
      %run_scoped3A = tpu.sem_alloc : memref<!tpu.dma_semaphore, #tpu.memory_space<semaphore_mem>>
      %dma_start3A = arith.constant 0 : i32
      %dma_start3A_479 = tpu.memref_slice %arg5[%add3A_236, %dma_start3A] : memref<64x128xf32, #tpu.memory_space<hbm>> -> memref<1x128xf32, #tpu.memory_space<hbm>>
      %dma_start3A_480 = tpu.memref_squeeze %dma_start3A_479 : memref<1x128xf32, #tpu.memory_space<hbm>> -> memref<128xf32, #tpu.memory_space<hbm>>
      %dma_start3A_481 = arith.constant 0 : i32
      %dma_start3A_482 = tpu.memref_slice %arg5[%add3A_236, %dma_start3A_481] : memref<64x128xf32, #tpu.memory_space<hbm>> -> memref<1x128xf32, #tpu.memory_space<hbm>>
      %dma_start3A_483 = tpu.memref_squeeze %dma_start3A_482 : memref<1x128xf32, #tpu.memory_space<hbm>> -> memref<128xf32, #tpu.memory_space<hbm>>
      tpu.enqueue_dma source(%arg8 : memref<128xf32, #tpu.memory_space<vmem>>) target(%dma_start3A_483 : memref<128xf32, #tpu.memory_space<hbm>>) target_semaphore(%run_scoped3A : memref<!tpu.dma_semaphore, #tpu.memory_space<semaphore_mem>>)
      %dma_wait3A = arith.constant 0 : i32
      %dma_wait3A_484 = tpu.memref_slice %arg5[%add3A_236, %dma_wait3A] : memref<64x128xf32, #tpu.memory_space<hbm>> -> memref<1x128xf32, #tpu.memory_space<hbm>>
      %dma_wait3A_485 = tpu.memref_squeeze %dma_wait3A_484 : memref<1x128xf32, #tpu.memory_space<hbm>> -> memref<128xf32, #tpu.memory_space<hbm>>
      %dma_wait3A_486 = arith.constant 0 : i32
      %dma_wait3A_487 = tpu.memref_slice %arg5[%add3A_236, %dma_wait3A_486] : memref<64x128xf32, #tpu.memory_space<hbm>> -> memref<1x128xf32, #tpu.memory_space<hbm>>
      %dma_wait3A_488 = tpu.memref_squeeze %dma_wait3A_487 : memref<1x128xf32, #tpu.memory_space<hbm>> -> memref<128xf32, #tpu.memory_space<hbm>>
      tpu.wait_dma2 semaphore(%run_scoped3A : memref<!tpu.dma_semaphore, #tpu.memory_space<semaphore_mem>>) src(%arg8 : memref<128xf32, #tpu.memory_space<vmem>>) dst(%dma_wait3A_488 : memref<128xf32, #tpu.memory_space<hbm>>)
      tpu.yield
    }) : () -> ()
    %add3A_358 = arith.constant 80 : i32
    %add3A_359 = arith.addi %add3A_358, %add3A_236 : i32
    %get3A_360 = arith.index_cast %add3A_359 : i32 to index
    %get3A_361 = tpu.vector_load %arg7[%get3A_360] {strides = array<i32>} : memref<160xi32, #tpu.memory_space<vmem>>, vector<16xi32>,
    %get3A_362 = vector.shape_cast %get3A_361 : vector<16xi32> to vector<16xi32>
    %slice3A_363 = vector.extract_strided_slice %get3A_362 {offsets = [0], sizes = [1], strides = [1]} : vector<16xi32> to vector<1xi32>
    %squeeze3A_364 = vector.extract %slice3A_363[0] : i32 from vector<1xi32>
    %slice3A_365 = vector.extract_strided_slice %get3A_362 {offsets = [1], sizes = [1], strides = [1]} : vector<16xi32> to vector<1xi32>
    %squeeze3A_366 = vector.extract %slice3A_365[0] : i32 from vector<1xi32>
    %jit3A_367 = arith.constant 8 : i32
    %div3A_368 = arith.divsi %squeeze3A_364, %jit3A_367 : i32
    %sign3A_369 = arith.constant 0 : i32
    %sign3A_370 = arith.cmpi sgt, %squeeze3A_364, %sign3A_369 : i32
    %sign3A_371 = arith.extui %sign3A_370 : i1 to i32
    %sign3A_372 = arith.constant 0 : i32
    %sign3A_373 = arith.cmpi slt, %squeeze3A_364, %sign3A_372 : i32
    %sign3A_374 = arith.extui %sign3A_373 : i1 to i32
    %sign3A_375 = arith.subi %sign3A_371, %sign3A_374 : i32
    %sign3A_376 = arith.constant 0 : i32
    %sign3A_377 = arith.cmpi sgt, %jit3A_367, %sign3A_376 : i32
    %sign3A_378 = arith.extui %sign3A_377 : i1 to i32
    %sign3A_379 = arith.constant 0 : i32
    %sign3A_380 = arith.cmpi slt, %jit3A_367, %sign3A_379 : i32
    %sign3A_381 = arith.extui %sign3A_380 : i1 to i32
    %sign3A_382 = arith.subi %sign3A_378, %sign3A_381 : i32
    %ne3A_383 = arith.cmpi ne, %sign3A_375, %sign3A_382 : i32
    %rem3A_384 = arith.remsi %squeeze3A_364, %jit3A_367 : i32
    %ne3A_385 = arith.constant 0 : i32
    %ne3A_386 = arith.cmpi ne, %rem3A_384, %ne3A_385 : i32
    %and3A_387 = arith.andi %ne3A_383, %ne3A_386 : i1
    %sub3A_388 = arith.constant 1 : i32
    %sub3A_389 = arith.subi %div3A_368, %sub3A_388 : i32
    %select_n3A_390 = arith.select %and3A_387, %sub3A_389, %div3A_368 : i32
    %mul3A_391 = arith.constant 8 : i32
    %mul3A_392 = arith.muli %select_n3A_390, %mul3A_391 : i32
    %sub3A_393 = arith.subi %squeeze3A_366, %mul3A_392 : i32
    %add3A_394 = arith.constant 255 : i32
    %add3A_395 = arith.addi %sub3A_393, %add3A_394 : i32
    %jit3A_396 = arith.constant 256 : i32
    %div3A_397 = arith.divsi %add3A_395, %jit3A_396 : i32
    %sign3A_398 = arith.constant 0 : i32
    %sign3A_399 = arith.cmpi sgt, %add3A_395, %sign3A_398 : i32
    %sign3A_400 = arith.extui %sign3A_399 : i1 to i32
    %sign3A_401 = arith.constant 0 : i32
    %sign3A_402 = arith.cmpi slt, %add3A_395, %sign3A_401 : i32
    %sign3A_403 = arith.extui %sign3A_402 : i1 to i32
    %sign3A_404 = arith.subi %sign3A_400, %sign3A_403 : i32
    %sign3A_405 = arith.constant 0 : i32
    %sign3A_406 = arith.cmpi sgt, %jit3A_396, %sign3A_405 : i32
    %sign3A_407 = arith.extui %sign3A_406 : i1 to i32
    %sign3A_408 = arith.constant 0 : i32
    %sign3A_409 = arith.cmpi slt, %jit3A_396, %sign3A_408 : i32
    %sign3A_410 = arith.extui %sign3A_409 : i1 to i32
    %sign3A_411 = arith.subi %sign3A_407, %sign3A_410 : i32
    %ne3A_412 = arith.cmpi ne, %sign3A_404, %sign3A_411 : i32
    %rem3A_413 = arith.remsi %add3A_395, %jit3A_396 : i32
    %ne3A_414 = arith.constant 0 : i32
    %ne3A_415 = arith.cmpi ne, %rem3A_413, %ne3A_414 : i32
    %and3A_416 = arith.andi %ne3A_412, %ne3A_415 : i1
    %sub3A_417 = arith.constant 1 : i32
    %sub3A_418 = arith.subi %div3A_397, %sub3A_417 : i32
    %select_n3A_419 = arith.select %and3A_416, %sub3A_418, %div3A_397 : i32
    %broadcast_in_dim3A_420 = arith.constant 0.000000e+00 : f32
    %broadcast_in_dim3A_421 = vector.broadcast %broadcast_in_dim3A_420 : f32 to vector<16xf32>
    %broadcast_in_dim3A_422 = arith.constant 0.000000e+00 : f32
    %broadcast_in_dim3A_423 = vector.broadcast %broadcast_in_dim3A_422 : f32 to vector<16xf32>
    %broadcast_in_dim3A_424 = arith.constant 0.000000e+00 : f32
    %broadcast_in_dim3A_425 = vector.broadcast %broadcast_in_dim3A_424 : f32 to vector<16xf32>
    %broadcast_in_dim3A_426 = arith.constant 0.000000e+00 : f32
    %broadcast_in_dim3A_427 = vector.broadcast %broadcast_in_dim3A_426 : f32 to vector<16xf32>
    %broadcast_in_dim3A_428 = arith.constant 0.000000e+00 : f32
    %broadcast_in_dim3A_429 = vector.broadcast %broadcast_in_dim3A_428 : f32 to vector<16xf32>
    %broadcast_in_dim3A_430 = arith.constant 0.000000e+00 : f32
    %broadcast_in_dim3A_431 = vector.broadcast %broadcast_in_dim3A_430 : f32 to vector<16xf32>
    %broadcast_in_dim3A_432 = arith.constant 0.000000e+00 : f32
    %broadcast_in_dim3A_433 = vector.broadcast %broadcast_in_dim3A_432 : f32 to vector<16xf32>
    %broadcast_in_dim3A_434 = arith.constant 0.000000e+00 : f32
    %broadcast_in_dim3A_435 = vector.broadcast %broadcast_in_dim3A_434 : f32 to vector<16xf32>
    %while3A_436 = arith.constant 0 : i32
    %while3A_437 = arith.subi %select_n3A_419, %while3A_436 : i32
    %while3A_438 = arith.addi %while3A_436, %while3A_437 : i32
    %while3A_439 = arith.constant 1 : i32
    %while3A_440 = arith.divsi %while3A_437, %while3A_439 : i32
    %while3A_441 = arith.muli %while3A_440, %while3A_439 : i32
    %while3A_442 = arith.addi %while3A_436, %while3A_441 : i32
    %while3A_443 = arith.constant 1 : i32
    %while3A_444:8 = scf.for %while3A_479 = %while3A_436 to %while3A_442 step %while3A_443 iter_args(%while3A_480 = %broadcast_in_dim3A_421, %while3A_481 = %broadcast_in_dim3A_423, %while3A_482 = %broadcast_in_dim3A_425, %while3A_483 = %broadcast_in_dim3A_427, %while3A_484 = %broadcast_in_dim3A_429, %while3A_485 = %broadcast_in_dim3A_431, %while3A_486 = %broadcast_in_dim3A_433, %while3A_487 = %broadcast_in_dim3A_435) -> (vector<16xf32>, vector<16xf32>, vector<16xf32>, vector<16xf32>, vector<16xf32>, vector<16xf32>, vector<16xf32>, vector<16xf32>)  : i32 {
      %mul3A_488 = arith.constant 256 : i32
      %mul3A_489 = arith.muli %while3A_479, %mul3A_488 : i32
      %add3A_490 = arith.addi %mul3A_392, %mul3A_489 : i32
      %min3A = arith.constant 49744 : i32
      %min3A_491 = arith.minsi %add3A_490, %min3A : i32
      %multiple_of3A = tpu.assume_multiple %min3A_491, 8 : i32
      "tpu.region"() ({
        %run_scoped3A = tpu.sem_alloc : memref<!tpu.dma_semaphore, #tpu.memory_space<semaphore_mem>>
        %dma_start3A = arith.constant 0 : i32
        %dma_start3A_497 = tpu.memref_slice %arg3[%multiple_of3A, %dma_start3A] : memref<50000x128xf32, #tpu.memory_space<hbm>> -> memref<256x128xf32, #tpu.memory_space<hbm>>
        %dma_start3A_498 = arith.constant 0 : i32
        %dma_start3A_499 = tpu.memref_slice %arg3[%multiple_of3A, %dma_start3A_498] : memref<50000x128xf32, #tpu.memory_space<hbm>> -> memref<256x128xf32, #tpu.memory_space<hbm>>
        tpu.enqueue_dma source(%dma_start3A_499 : memref<256x128xf32, #tpu.memory_space<hbm>>) target(%arg9 : memref<256x128xf32, #tpu.memory_space<vmem>>) target_semaphore(%run_scoped3A : memref<!tpu.dma_semaphore, #tpu.memory_space<semaphore_mem>>)
        %dma_wait3A = arith.constant 0 : i32
        %dma_wait3A_500 = tpu.memref_slice %arg3[%multiple_of3A, %dma_wait3A] : memref<50000x128xf32, #tpu.memory_space<hbm>> -> memref<256x128xf32, #tpu.memory_space<hbm>>
        %dma_wait3A_501 = arith.constant 0 : i32
        %dma_wait3A_502 = tpu.memref_slice %arg3[%multiple_of3A, %dma_wait3A_501] : memref<50000x128xf32, #tpu.memory_space<hbm>> -> memref<256x128xf32, #tpu.memory_space<hbm>>
        tpu.wait_dma2 semaphore(%run_scoped3A : memref<!tpu.dma_semaphore, #tpu.memory_space<semaphore_mem>>) src(%dma_wait3A_502 : memref<256x128xf32, #tpu.memory_space<hbm>>) dst(%arg9 : memref<256x128xf32, #tpu.memory_space<vmem>>)
        tpu.yield
      }) : () -> ()
      %scan3A = arith.constant 0 : i32
      %scan3A_492 = arith.constant 256 : i32
      %scan3A_493 = arith.addi %scan3A, %scan3A_492 : i32
      %scan3A_494 = arith.constant 1 : i32
      %scan3A_495:8 = scf.for %scan3A_497 = %scan3A to %scan3A_493 step %scan3A_494 iter_args(%scan3A_498 = %while3A_480, %scan3A_499 = %while3A_481, %scan3A_500 = %while3A_482, %scan3A_501 = %while3A_483, %scan3A_502 = %while3A_484, %scan3A_503 = %while3A_485, %scan3A_504 = %while3A_486, %scan3A_505 = %while3A_487) -> (vector<16xf32>, vector<16xf32>, vector<16xf32>, vector<16xf32>, vector<16xf32>, vector<16xf32>, vector<16xf32>, vector<16xf32>)  : i32 {
        %add3A_506 = arith.addi %multiple_of3A, %scan3A_497 : i32
        %ge3A = arith.cmpi sge, %add3A_506, %squeeze3A_364 : i32
        %lt3A = arith.cmpi slt, %add3A_506, %squeeze3A_366 : i32
        %and3A_507 = arith.andi %ge3A, %lt3A : i1
        %jit3A_508 = arith.constant 1.000000e+00 : f32
        %jit3A_509 = arith.constant 0.000000e+00 : f32
        %select_n3A_510 = arith.select %and3A_507, %jit3A_508, %jit3A_509 : f32
        %get3A_511 = arith.index_cast %scan3A_497 : i32 to index
        %get3A_512 = arith.constant 0 : index
        %get3A_513 = tpu.vector_load %arg9[%get3A_511, %get3A_512] {strides = array<i32>} : memref<256x128xf32, #tpu.memory_space<vmem>>, vector<1x16xf32>,
        %get3A_514 = vector.shape_cast %get3A_513 : vector<1x16xf32> to vector<16xf32>
        %mul3A_515 = vector.broadcast %select_n3A_510 : f32 to vector<16xf32>
        %mul3A_516 = arith.mulf %mul3A_515, %get3A_514 : vector<16xf32>
        %add3A_517 = arith.addf %scan3A_498, %mul3A_516 : vector<16xf32>
        %get3A_518 = arith.index_cast %scan3A_497 : i32 to index
        %get3A_519 = arith.constant 16 : index
        %get3A_520 = tpu.vector_load %arg9[%get3A_518, %get3A_519] {strides = array<i32>} : memref<256x128xf32, #tpu.memory_space<vmem>>, vector<1x16xf32>,
        %get3A_521 = vector.shape_cast %get3A_520 : vector<1x16xf32> to vector<16xf32>
        %mul3A_522 = vector.broadcast %select_n3A_510 : f32 to vector<16xf32>
        %mul3A_523 = arith.mulf %mul3A_522, %get3A_521 : vector<16xf32>
        %add3A_524 = arith.addf %scan3A_499, %mul3A_523 : vector<16xf32>
        %get3A_525 = arith.index_cast %scan3A_497 : i32 to index
        %get3A_526 = arith.constant 32 : index
        %get3A_527 = tpu.vector_load %arg9[%get3A_525, %get3A_526] {strides = array<i32>} : memref<256x128xf32, #tpu.memory_space<vmem>>, vector<1x16xf32>,
        %get3A_528 = vector.shape_cast %get3A_527 : vector<1x16xf32> to vector<16xf32>
        %mul3A_529 = vector.broadcast %select_n3A_510 : f32 to vector<16xf32>
        %mul3A_530 = arith.mulf %mul3A_529, %get3A_528 : vector<16xf32>
        %add3A_531 = arith.addf %scan3A_500, %mul3A_530 : vector<16xf32>
        %get3A_532 = arith.index_cast %scan3A_497 : i32 to index
        %get3A_533 = arith.constant 48 : index
        %get3A_534 = tpu.vector_load %arg9[%get3A_532, %get3A_533] {strides = array<i32>} : memref<256x128xf32, #tpu.memory_space<vmem>>, vector<1x16xf32>,
        %get3A_535 = vector.shape_cast %get3A_534 : vector<1x16xf32> to vector<16xf32>
        %mul3A_536 = vector.broadcast %select_n3A_510 : f32 to vector<16xf32>
        %mul3A_537 = arith.mulf %mul3A_536, %get3A_535 : vector<16xf32>
        %add3A_538 = arith.addf %scan3A_501, %mul3A_537 : vector<16xf32>
        %get3A_539 = arith.index_cast %scan3A_497 : i32 to index
        %get3A_540 = arith.constant 64 : index
        %get3A_541 = tpu.vector_load %arg9[%get3A_539, %get3A_540] {strides = array<i32>} : memref<256x128xf32, #tpu.memory_space<vmem>>, vector<1x16xf32>,
        %get3A_542 = vector.shape_cast %get3A_541 : vector<1x16xf32> to vector<16xf32>
        %mul3A_543 = vector.broadcast %select_n3A_510 : f32 to vector<16xf32>
        %mul3A_544 = arith.mulf %mul3A_543, %get3A_542 : vector<16xf32>
        %add3A_545 = arith.addf %scan3A_502, %mul3A_544 : vector<16xf32>
        %get3A_546 = arith.index_cast %scan3A_497 : i32 to index
        %get3A_547 = arith.constant 80 : index
        %get3A_548 = tpu.vector_load %arg9[%get3A_546, %get3A_547] {strides = array<i32>} : memref<256x128xf32, #tpu.memory_space<vmem>>, vector<1x16xf32>,
        %get3A_549 = vector.shape_cast %get3A_548 : vector<1x16xf32> to vector<16xf32>
        %mul3A_550 = vector.broadcast %select_n3A_510 : f32 to vector<16xf32>
        %mul3A_551 = arith.mulf %mul3A_550, %get3A_549 : vector<16xf32>
        %add3A_552 = arith.addf %scan3A_503, %mul3A_551 : vector<16xf32>
        %get3A_553 = arith.index_cast %scan3A_497 : i32 to index
        %get3A_554 = arith.constant 96 : index
        %get3A_555 = tpu.vector_load %arg9[%get3A_553, %get3A_554] {strides = array<i32>} : memref<256x128xf32, #tpu.memory_space<vmem>>, vector<1x16xf32>,
        %get3A_556 = vector.shape_cast %get3A_555 : vector<1x16xf32> to vector<16xf32>
        %mul3A_557 = vector.broadcast %select_n3A_510 : f32 to vector<16xf32>
        %mul3A_558 = arith.mulf %mul3A_557, %get3A_556 : vector<16xf32>
        %add3A_559 = arith.addf %scan3A_504, %mul3A_558 : vector<16xf32>
        %get3A_560 = arith.index_cast %scan3A_497 : i32 to index
        %get3A_561 = arith.constant 112 : index
        %get3A_562 = tpu.vector_load %arg9[%get3A_560, %get3A_561] {strides = array<i32>} : memref<256x128xf32, #tpu.memory_space<vmem>>, vector<1x16xf32>,
        %get3A_563 = vector.shape_cast %get3A_562 : vector<1x16xf32> to vector<16xf32>
        %mul3A_564 = vector.broadcast %select_n3A_510 : f32 to vector<16xf32>
        %mul3A_565 = arith.mulf %mul3A_564, %get3A_563 : vector<16xf32>
        %add3A_566 = arith.addf %scan3A_505, %mul3A_565 : vector<16xf32>
        scf.yield %add3A_517, %add3A_524, %add3A_531, %add3A_538, %add3A_545, %add3A_552, %add3A_559, %add3A_566 : vector<16xf32>, vector<16xf32>, vector<16xf32>, vector<16xf32>, vector<16xf32>, vector<16xf32>, vector<16xf32>, vector<16xf32>
      }
      %scan3A_496 = arith.constant 256 : i32
      scf.yield %scan3A_495#0, %scan3A_495#1, %scan3A_495#2, %scan3A_495#3, %scan3A_495#4, %scan3A_495#5, %scan3A_495#6, %scan3A_495#7 : vector<16xf32>, vector<16xf32>, vector<16xf32>, vector<16xf32>, vector<16xf32>, vector<16xf32>, vector<16xf32>, vector<16xf32>
    }
    %while3A_445 = arith.constant 1 : i32
    %while3A_446:8 = scf.for %while3A_479 = %while3A_442 to %while3A_438 step %while3A_445 iter_args(%while3A_480 = %while3A_444#0, %while3A_481 = %while3A_444#1, %while3A_482 = %while3A_444#2, %while3A_483 = %while3A_444#3, %while3A_484 = %while3A_444#4, %while3A_485 = %while3A_444#5, %while3A_486 = %while3A_444#6, %while3A_487 = %while3A_444#7) -> (vector<16xf32>, vector<16xf32>, vector<16xf32>, vector<16xf32>, vector<16xf32>, vector<16xf32>, vector<16xf32>, vector<16xf32>)  : i32 {
      %mul3A_488 = arith.constant 256 : i32
      %mul3A_489 = arith.muli %while3A_479, %mul3A_488 : i32
      %add3A_490 = arith.addi %mul3A_392, %mul3A_489 : i32
      %min3A = arith.constant 49744 : i32
      %min3A_491 = arith.minsi %add3A_490, %min3A : i32
      %multiple_of3A = tpu.assume_multiple %min3A_491, 8 : i32
      "tpu.region"() ({
        %run_scoped3A = tpu.sem_alloc : memref<!tpu.dma_semaphore, #tpu.memory_space<semaphore_mem>>
        %dma_start3A = arith.constant 0 : i32
        %dma_start3A_497 = tpu.memref_slice %arg3[%multiple_of3A, %dma_start3A] : memref<50000x128xf32, #tpu.memory_space<hbm>> -> memref<256x128xf32, #tpu.memory_space<hbm>>
        %dma_start3A_498 = arith.constant 0 : i32
        %dma_start3A_499 = tpu.memref_slice %arg3[%multiple_of3A, %dma_start3A_498] : memref<50000x128xf32, #tpu.memory_space<hbm>> -> memref<256x128xf32, #tpu.memory_space<hbm>>
        tpu.enqueue_dma source(%dma_start3A_499 : memref<256x128xf32, #tpu.memory_space<hbm>>) target(%arg9 : memref<256x128xf32, #tpu.memory_space<vmem>>) target_semaphore(%run_scoped3A : memref<!tpu.dma_semaphore, #tpu.memory_space<semaphore_mem>>)
        %dma_wait3A = arith.constant 0 : i32
        %dma_wait3A_500 = tpu.memref_slice %arg3[%multiple_of3A, %dma_wait3A] : memref<50000x128xf32, #tpu.memory_space<hbm>> -> memref<256x128xf32, #tpu.memory_space<hbm>>
        %dma_wait3A_501 = arith.constant 0 : i32
        %dma_wait3A_502 = tpu.memref_slice %arg3[%multiple_of3A, %dma_wait3A_501] : memref<50000x128xf32, #tpu.memory_space<hbm>> -> memref<256x128xf32, #tpu.memory_space<hbm>>
        tpu.wait_dma2 semaphore(%run_scoped3A : memref<!tpu.dma_semaphore, #tpu.memory_space<semaphore_mem>>) src(%dma_wait3A_502 : memref<256x128xf32, #tpu.memory_space<hbm>>) dst(%arg9 : memref<256x128xf32, #tpu.memory_space<vmem>>)
        tpu.yield
      }) : () -> ()
      %scan3A = arith.constant 0 : i32
      %scan3A_492 = arith.constant 256 : i32
      %scan3A_493 = arith.addi %scan3A, %scan3A_492 : i32
      %scan3A_494 = arith.constant 1 : i32
      %scan3A_495:8 = scf.for %scan3A_497 = %scan3A to %scan3A_493 step %scan3A_494 iter_args(%scan3A_498 = %while3A_480, %scan3A_499 = %while3A_481, %scan3A_500 = %while3A_482, %scan3A_501 = %while3A_483, %scan3A_502 = %while3A_484, %scan3A_503 = %while3A_485, %scan3A_504 = %while3A_486, %scan3A_505 = %while3A_487) -> (vector<16xf32>, vector<16xf32>, vector<16xf32>, vector<16xf32>, vector<16xf32>, vector<16xf32>, vector<16xf32>, vector<16xf32>)  : i32 {
        %add3A_506 = arith.addi %multiple_of3A, %scan3A_497 : i32
        %ge3A = arith.cmpi sge, %add3A_506, %squeeze3A_364 : i32
        %lt3A = arith.cmpi slt, %add3A_506, %squeeze3A_366 : i32
        %and3A_507 = arith.andi %ge3A, %lt3A : i1
        %jit3A_508 = arith.constant 1.000000e+00 : f32
        %jit3A_509 = arith.constant 0.000000e+00 : f32
        %select_n3A_510 = arith.select %and3A_507, %jit3A_508, %jit3A_509 : f32
        %get3A_511 = arith.index_cast %scan3A_497 : i32 to index
        %get3A_512 = arith.constant 0 : index
        %get3A_513 = tpu.vector_load %arg9[%get3A_511, %get3A_512] {strides = array<i32>} : memref<256x128xf32, #tpu.memory_space<vmem>>, vector<1x16xf32>,
        %get3A_514 = vector.shape_cast %get3A_513 : vector<1x16xf32> to vector<16xf32>
        %mul3A_515 = vector.broadcast %select_n3A_510 : f32 to vector<16xf32>
        %mul3A_516 = arith.mulf %mul3A_515, %get3A_514 : vector<16xf32>
        %add3A_517 = arith.addf %scan3A_498, %mul3A_516 : vector<16xf32>
        %get3A_518 = arith.index_cast %scan3A_497 : i32 to index
        %get3A_519 = arith.constant 16 : index
        %get3A_520 = tpu.vector_load %arg9[%get3A_518, %get3A_519] {strides = array<i32>} : memref<256x128xf32, #tpu.memory_space<vmem>>, vector<1x16xf32>,
        %get3A_521 = vector.shape_cast %get3A_520 : vector<1x16xf32> to vector<16xf32>
        %mul3A_522 = vector.broadcast %select_n3A_510 : f32 to vector<16xf32>
        %mul3A_523 = arith.mulf %mul3A_522, %get3A_521 : vector<16xf32>
        %add3A_524 = arith.addf %scan3A_499, %mul3A_523 : vector<16xf32>
        %get3A_525 = arith.index_cast %scan3A_497 : i32 to index
        %get3A_526 = arith.constant 32 : index
        %get3A_527 = tpu.vector_load %arg9[%get3A_525, %get3A_526] {strides = array<i32>} : memref<256x128xf32, #tpu.memory_space<vmem>>, vector<1x16xf32>,
        %get3A_528 = vector.shape_cast %get3A_527 : vector<1x16xf32> to vector<16xf32>
        %mul3A_529 = vector.broadcast %select_n3A_510 : f32 to vector<16xf32>
        %mul3A_530 = arith.mulf %mul3A_529, %get3A_528 : vector<16xf32>
        %add3A_531 = arith.addf %scan3A_500, %mul3A_530 : vector<16xf32>
        %get3A_532 = arith.index_cast %scan3A_497 : i32 to index
        %get3A_533 = arith.constant 48 : index
        %get3A_534 = tpu.vector_load %arg9[%get3A_532, %get3A_533] {strides = array<i32>} : memref<256x128xf32, #tpu.memory_space<vmem>>, vector<1x16xf32>,
        %get3A_535 = vector.shape_cast %get3A_534 : vector<1x16xf32> to vector<16xf32>
        %mul3A_536 = vector.broadcast %select_n3A_510 : f32 to vector<16xf32>
        %mul3A_537 = arith.mulf %mul3A_536, %get3A_535 : vector<16xf32>
        %add3A_538 = arith.addf %scan3A_501, %mul3A_537 : vector<16xf32>
        %get3A_539 = arith.index_cast %scan3A_497 : i32 to index
        %get3A_540 = arith.constant 64 : index
        %get3A_541 = tpu.vector_load %arg9[%get3A_539, %get3A_540] {strides = array<i32>} : memref<256x128xf32, #tpu.memory_space<vmem>>, vector<1x16xf32>,
        %get3A_542 = vector.shape_cast %get3A_541 : vector<1x16xf32> to vector<16xf32>
        %mul3A_543 = vector.broadcast %select_n3A_510 : f32 to vector<16xf32>
        %mul3A_544 = arith.mulf %mul3A_543, %get3A_542 : vector<16xf32>
        %add3A_545 = arith.addf %scan3A_502, %mul3A_544 : vector<16xf32>
        %get3A_546 = arith.index_cast %scan3A_497 : i32 to index
        %get3A_547 = arith.constant 80 : index
        %get3A_548 = tpu.vector_load %arg9[%get3A_546, %get3A_547] {strides = array<i32>} : memref<256x128xf32, #tpu.memory_space<vmem>>, vector<1x16xf32>,
        %get3A_549 = vector.shape_cast %get3A_548 : vector<1x16xf32> to vector<16xf32>
        %mul3A_550 = vector.broadcast %select_n3A_510 : f32 to vector<16xf32>
        %mul3A_551 = arith.mulf %mul3A_550, %get3A_549 : vector<16xf32>
        %add3A_552 = arith.addf %scan3A_503, %mul3A_551 : vector<16xf32>
        %get3A_553 = arith.index_cast %scan3A_497 : i32 to index
        %get3A_554 = arith.constant 96 : index
        %get3A_555 = tpu.vector_load %arg9[%get3A_553, %get3A_554] {strides = array<i32>} : memref<256x128xf32, #tpu.memory_space<vmem>>, vector<1x16xf32>,
        %get3A_556 = vector.shape_cast %get3A_555 : vector<1x16xf32> to vector<16xf32>
        %mul3A_557 = vector.broadcast %select_n3A_510 : f32 to vector<16xf32>
        %mul3A_558 = arith.mulf %mul3A_557, %get3A_556 : vector<16xf32>
        %add3A_559 = arith.addf %scan3A_504, %mul3A_558 : vector<16xf32>
        %get3A_560 = arith.index_cast %scan3A_497 : i32 to index
        %get3A_561 = arith.constant 112 : index
        %get3A_562 = tpu.vector_load %arg9[%get3A_560, %get3A_561] {strides = array<i32>} : memref<256x128xf32, #tpu.memory_space<vmem>>, vector<1x16xf32>,
        %get3A_563 = vector.shape_cast %get3A_562 : vector<1x16xf32> to vector<16xf32>
        %mul3A_564 = vector.broadcast %select_n3A_510 : f32 to vector<16xf32>
        %mul3A_565 = arith.mulf %mul3A_564, %get3A_563 : vector<16xf32>
        %add3A_566 = arith.addf %scan3A_505, %mul3A_565 : vector<16xf32>
        scf.yield %add3A_517, %add3A_524, %add3A_531, %add3A_538, %add3A_545, %add3A_552, %add3A_559, %add3A_566 : vector<16xf32>, vector<16xf32>, vector<16xf32>, vector<16xf32>, vector<16xf32>, vector<16xf32>, vector<16xf32>, vector<16xf32>
      }
      %scan3A_496 = arith.constant 256 : i32
      scf.yield %scan3A_495#0, %scan3A_495#1, %scan3A_495#2, %scan3A_495#3, %scan3A_495#4, %scan3A_495#5, %scan3A_495#6, %scan3A_495#7 : vector<16xf32>, vector<16xf32>, vector<16xf32>, vector<16xf32>, vector<16xf32>, vector<16xf32>, vector<16xf32>, vector<16xf32>
    }
    %swap3A_447 = arith.constant 0 : index
    %swap3A_448 = tpu.vector_load %arg8[%swap3A_447] {strides = array<i32>} : memref<128xf32, #tpu.memory_space<vmem>>, vector<16xf32>,
    %swap3A_449 = vector.shape_cast %swap3A_448 : vector<16xf32> to vector<16xf32>
    %swap3A_450 = vector.shape_cast %while3A_446#0 : vector<16xf32> to vector<16xf32>
    tpu.vector_store %arg8[%swap3A_447], %swap3A_450 {strides = array<i32>} : memref<128xf32, #tpu.memory_space<vmem>>, vector<16xf32>,
    %swap3A_451 = arith.constant 16 : index
    %swap3A_452 = tpu.vector_load %arg8[%swap3A_451] {strides = array<i32>} : memref<128xf32, #tpu.memory_space<vmem>>, vector<16xf32>,
    %swap3A_453 = vector.shape_cast %swap3A_452 : vector<16xf32> to vector<16xf32>
    %swap3A_454 = vector.shape_cast %while3A_446#1 : vector<16xf32> to vector<16xf32>
    tpu.vector_store %arg8[%swap3A_451], %swap3A_454 {strides = array<i32>} : memref<128xf32, #tpu.memory_space<vmem>>, vector<16xf32>,
    %swap3A_455 = arith.constant 32 : index
    %swap3A_456 = tpu.vector_load %arg8[%swap3A_455] {strides = array<i32>} : memref<128xf32, #tpu.memory_space<vmem>>, vector<16xf32>,
    %swap3A_457 = vector.shape_cast %swap3A_456 : vector<16xf32> to vector<16xf32>
    %swap3A_458 = vector.shape_cast %while3A_446#2 : vector<16xf32> to vector<16xf32>
    tpu.vector_store %arg8[%swap3A_455], %swap3A_458 {strides = array<i32>} : memref<128xf32, #tpu.memory_space<vmem>>, vector<16xf32>,
    %swap3A_459 = arith.constant 48 : index
    %swap3A_460 = tpu.vector_load %arg8[%swap3A_459] {strides = array<i32>} : memref<128xf32, #tpu.memory_space<vmem>>, vector<16xf32>,
    %swap3A_461 = vector.shape_cast %swap3A_460 : vector<16xf32> to vector<16xf32>
    %swap3A_462 = vector.shape_cast %while3A_446#3 : vector<16xf32> to vector<16xf32>
    tpu.vector_store %arg8[%swap3A_459], %swap3A_462 {strides = array<i32>} : memref<128xf32, #tpu.memory_space<vmem>>, vector<16xf32>,
    %swap3A_463 = arith.constant 64 : index
    %swap3A_464 = tpu.vector_load %arg8[%swap3A_463] {strides = array<i32>} : memref<128xf32, #tpu.memory_space<vmem>>, vector<16xf32>,
    %swap3A_465 = vector.shape_cast %swap3A_464 : vector<16xf32> to vector<16xf32>
    %swap3A_466 = vector.shape_cast %while3A_446#4 : vector<16xf32> to vector<16xf32>
    tpu.vector_store %arg8[%swap3A_463], %swap3A_466 {strides = array<i32>} : memref<128xf32, #tpu.memory_space<vmem>>, vector<16xf32>,
    %swap3A_467 = arith.constant 80 : index
    %swap3A_468 = tpu.vector_load %arg8[%swap3A_467] {strides = array<i32>} : memref<128xf32, #tpu.memory_space<vmem>>, vector<16xf32>,
    %swap3A_469 = vector.shape_cast %swap3A_468 : vector<16xf32> to vector<16xf32>
    %swap3A_470 = vector.shape_cast %while3A_446#5 : vector<16xf32> to vector<16xf32>
    tpu.vector_store %arg8[%swap3A_467], %swap3A_470 {strides = array<i32>} : memref<128xf32, #tpu.memory_space<vmem>>, vector<16xf32>,
    %swap3A_471 = arith.constant 96 : index
    %swap3A_472 = tpu.vector_load %arg8[%swap3A_471] {strides = array<i32>} : memref<128xf32, #tpu.memory_space<vmem>>, vector<16xf32>,
    %swap3A_473 = vector.shape_cast %swap3A_472 : vector<16xf32> to vector<16xf32>
    %swap3A_474 = vector.shape_cast %while3A_446#6 : vector<16xf32> to vector<16xf32>
    tpu.vector_store %arg8[%swap3A_471], %swap3A_474 {strides = array<i32>} : memref<128xf32, #tpu.memory_space<vmem>>, vector<16xf32>,
    %swap3A_475 = arith.constant 112 : index
    %swap3A_476 = tpu.vector_load %arg8[%swap3A_475] {strides = array<i32>} : memref<128xf32, #tpu.memory_space<vmem>>, vector<16xf32>,
    %swap3A_477 = vector.shape_cast %swap3A_476 : vector<16xf32> to vector<16xf32>
    %swap3A_478 = vector.shape_cast %while3A_446#7 : vector<16xf32> to vector<16xf32>
    tpu.vector_store %arg8[%swap3A_475], %swap3A_478 {strides = array<i32>} : memref<128xf32, #tpu.memory_space<vmem>>, vector<16xf32>,
    "tpu.region"() ({
      %run_scoped3A = tpu.sem_alloc : memref<!tpu.dma_semaphore, #tpu.memory_space<semaphore_mem>>
      %dma_start3A = arith.constant 0 : i32
      %dma_start3A_479 = tpu.memref_slice %arg6[%add3A_236, %dma_start3A] : memref<64x128xf32, #tpu.memory_space<hbm>> -> memref<1x128xf32, #tpu.memory_space<hbm>>
      %dma_start3A_480 = tpu.memref_squeeze %dma_start3A_479 : memref<1x128xf32, #tpu.memory_space<hbm>> -> memref<128xf32, #tpu.memory_space<hbm>>
      %dma_start3A_481 = arith.constant 0 : i32
      %dma_start3A_482 = tpu.memref_slice %arg6[%add3A_236, %dma_start3A_481] : memref<64x128xf32, #tpu.memory_space<hbm>> -> memref<1x128xf32, #tpu.memory_space<hbm>>
      %dma_start3A_483 = tpu.memref_squeeze %dma_start3A_482 : memref<1x128xf32, #tpu.memory_space<hbm>> -> memref<128xf32, #tpu.memory_space<hbm>>
      tpu.enqueue_dma source(%arg8 : memref<128xf32, #tpu.memory_space<vmem>>) target(%dma_start3A_483 : memref<128xf32, #tpu.memory_space<hbm>>) target_semaphore(%run_scoped3A : memref<!tpu.dma_semaphore, #tpu.memory_space<semaphore_mem>>)
      %dma_wait3A = arith.constant 0 : i32
      %dma_wait3A_484 = tpu.memref_slice %arg6[%add3A_236, %dma_wait3A] : memref<64x128xf32, #tpu.memory_space<hbm>> -> memref<1x128xf32, #tpu.memory_space<hbm>>
      %dma_wait3A_485 = tpu.memref_squeeze %dma_wait3A_484 : memref<1x128xf32, #tpu.memory_space<hbm>> -> memref<128xf32, #tpu.memory_space<hbm>>
      %dma_wait3A_486 = arith.constant 0 : i32
      %dma_wait3A_487 = tpu.memref_slice %arg6[%add3A_236, %dma_wait3A_486] : memref<64x128xf32, #tpu.memory_space<hbm>> -> memref<1x128xf32, #tpu.memory_space<hbm>>
      %dma_wait3A_488 = tpu.memref_squeeze %dma_wait3A_487 : memref<1x128xf32, #tpu.memory_space<hbm>> -> memref<128xf32, #tpu.memory_space<hbm>>
      tpu.wait_dma2 semaphore(%run_scoped3A : memref<!tpu.dma_semaphore, #tpu.memory_space<semaphore_mem>>) src(%arg8 : memref<128xf32, #tpu.memory_space<vmem>>) dst(%dma_wait3A_488 : memref<128xf32, #tpu.memory_space<hbm>>)
      tpu.yield
    }) : () -> ()
    return
  }
}

module attributes {stable_mosaic.version = 14 : i64} {
  func.func @_mlp_body(%arg0: memref<64x128xf32, #tpu.memory_space<vmem>>, %arg1: memref<64x128xf32, #tpu.memory_space<vmem>>, %arg2: memref<64x1xf32, #tpu.memory_space<vmem>>, %arg3: memref<64x1xf32, #tpu.memory_space<vmem>>, %arg4: memref<128x128xf32, #tpu.memory_space<vmem>>, %arg5: memref<1x128xf32, #tpu.memory_space<vmem>>, %arg6: memref<128x128xf32, #tpu.memory_space<vmem>>, %arg7: memref<128x128xf32, #tpu.memory_space<vmem>>, %arg8: memref<1x128xf32, #tpu.memory_space<vmem>>, %arg9: memref<128x128xf32, #tpu.memory_space<vmem>>, %arg10: memref<1x128xf32, #tpu.memory_space<vmem>>, %arg11: memref<128x128xf32, #tpu.memory_space<vmem>>, %arg12: memref<64x128xf32, #tpu.memory_space<vmem>>) attributes {dimension_semantics = [], scalar_prefetch = 0 : i64, scratch_operands = 0 : i64, tpu.core_type = #tpu.core_type<tc>} {
    %get3A = arith.constant 0 : index
    %get3A_0 = arith.constant 0 : index
    %get3A_1 = vector.load %arg2[%get3A, %get3A_0] : memref<64x1xf32, #tpu.memory_space<vmem>>, vector<64x1xf32>
    %get3A_2 = arith.constant 0 : index
    %get3A_3 = arith.constant 0 : index
    %get3A_4 = vector.load %arg3[%get3A_2, %get3A_3] : memref<64x1xf32, #tpu.memory_space<vmem>>, vector<64x1xf32>
    %get3A_5 = arith.constant 0 : index
    %get3A_6 = arith.constant 0 : index
    %get3A_7 = vector.load %arg0[%get3A_5, %get3A_6] : memref<64x128xf32, #tpu.memory_space<vmem>>, vector<64x128xf32>
    %max3A = arith.constant 1.000000e+00 : f32
    %max3A_8 = vector.broadcast %max3A : f32 to vector<64x1xf32>
    %max3A_9 = arith.maximumf %get3A_1, %max3A_8 : vector<64x1xf32>
    %div3A = vector.broadcast %max3A_9 : vector<64x1xf32> to vector<64x128xf32>
    %div3A_10 = arith.divf %get3A_7, %div3A : vector<64x128xf32>
    %get3A_11 = arith.constant 0 : index
    %get3A_12 = arith.constant 0 : index
    %get3A_13 = vector.load %arg1[%get3A_11, %get3A_12] : memref<64x128xf32, #tpu.memory_space<vmem>>, vector<64x128xf32>
    %max3A_14 = arith.constant 1.000000e+00 : f32
    %max3A_15 = vector.broadcast %max3A_14 : f32 to vector<64x1xf32>
    %max3A_16 = arith.maximumf %get3A_4, %max3A_15 : vector<64x1xf32>
    %div3A_17 = vector.broadcast %max3A_16 : vector<64x1xf32> to vector<64x128xf32>
    %div3A_18 = arith.divf %get3A_13, %div3A_17 : vector<64x128xf32>
    %get3A_19 = arith.constant 0 : index
    %get3A_20 = arith.constant 0 : index
    %get3A_21 = vector.load %arg4[%get3A_19, %get3A_20] : memref<128x128xf32, #tpu.memory_space<vmem>>, vector<128x128xf32>
    %dot_general3A = arith.constant dense<0.000000e+00> : vector<64x128xf32>
    %dot_general3A_22 = tpu.matmul %div3A_18, %get3A_21, %dot_general3A {dimension_numbers = #tpu.dot_dimension_numbers<[1], [0], [0], [1], [0, 0, 1, 1], [], []>, transpose_lhs_hint = false} : vector<64x128xf32>, vector<128x128xf32>, vector<64x128xf32> -> vector<64x128xf32>
    %get3A_23 = arith.constant 0 : index
    %get3A_24 = arith.constant 0 : index
    %get3A_25 = vector.load %arg5[%get3A_23, %get3A_24] : memref<1x128xf32, #tpu.memory_space<vmem>>, vector<1x128xf32>
    %add3A = vector.broadcast %get3A_25 : vector<1x128xf32> to vector<64x128xf32>
    %add3A_26 = arith.addf %dot_general3A_22, %add3A : vector<64x128xf32>
    %gt3A = arith.constant 0.000000e+00 : f32
    %gt3A_27 = vector.broadcast %gt3A : f32 to vector<64x1xf32>
    %gt3A_28 = arith.cmpf ogt, %get3A_4, %gt3A_27 : vector<64x1xf32>
    %jit3A = arith.constant 0.000000e+00 : f32
    %broadcast_in_dim3A = vector.shape_cast %gt3A_28 : vector<64x1xi1> to vector<64x1xi1>
    %broadcast_in_dim3A_29 = vector.broadcast %broadcast_in_dim3A : vector<64x1xi1> to vector<64x128xi1>
    %broadcast_in_dim3A_30 = vector.broadcast %jit3A : f32 to vector<64x128xf32>
    %select_n3A = arith.select %broadcast_in_dim3A_29, %add3A_26, %broadcast_in_dim3A_30 : vector<64x128xi1>, vector<64x128xf32>
    %get3A_31 = arith.constant 0 : index
    %get3A_32 = arith.constant 0 : index
    %get3A_33 = vector.load %arg6[%get3A_31, %get3A_32] : memref<128x128xf32, #tpu.memory_space<vmem>>, vector<128x128xf32>
    %dot_general3A_34 = arith.constant dense<0.000000e+00> : vector<64x128xf32>
    %dot_general3A_35 = tpu.matmul %div3A_10, %get3A_33, %dot_general3A_34 {dimension_numbers = #tpu.dot_dimension_numbers<[1], [0], [0], [1], [0, 0, 1, 1], [], []>, transpose_lhs_hint = false} : vector<64x128xf32>, vector<128x128xf32>, vector<64x128xf32> -> vector<64x128xf32>
    %get3A_36 = arith.constant 0 : index
    %get3A_37 = arith.constant 0 : index
    %get3A_38 = vector.load %arg7[%get3A_36, %get3A_37] : memref<128x128xf32, #tpu.memory_space<vmem>>, vector<128x128xf32>
    %dot_general3A_39 = arith.constant dense<0.000000e+00> : vector<64x128xf32>
    %dot_general3A_40 = tpu.matmul %select_n3A, %get3A_38, %dot_general3A_39 {dimension_numbers = #tpu.dot_dimension_numbers<[1], [0], [0], [1], [0, 0, 1, 1], [], []>, transpose_lhs_hint = false} : vector<64x128xf32>, vector<128x128xf32>, vector<64x128xf32> -> vector<64x128xf32>
    %add3A_41 = arith.addf %dot_general3A_35, %dot_general3A_40 : vector<64x128xf32>
    %get3A_42 = arith.constant 0 : index
    %get3A_43 = arith.constant 0 : index
    %get3A_44 = vector.load %arg8[%get3A_42, %get3A_43] : memref<1x128xf32, #tpu.memory_space<vmem>>, vector<1x128xf32>
    %add3A_45 = vector.broadcast %get3A_44 : vector<1x128xf32> to vector<64x128xf32>
    %add3A_46 = arith.addf %add3A_41, %add3A_45 : vector<64x128xf32>
    %logistic3A = arith.negf %add3A_46 : vector<64x128xf32>
    %logistic3A_47 = math.exp %logistic3A : vector<64x128xf32>
    %logistic3A_48 = arith.constant 1.000000e+00 : f32
    %logistic3A_49 = vector.broadcast %logistic3A_48 : f32 to vector<64x128xf32>
    %logistic3A_50 = arith.addf %logistic3A_49, %logistic3A_47 : vector<64x128xf32>
    %logistic3A_51 = arith.divf %logistic3A_49, %logistic3A_50 : vector<64x128xf32>
    %mul3A = arith.mulf %add3A_46, %logistic3A_51 : vector<64x128xf32>
    %get3A_52 = arith.constant 0 : index
    %get3A_53 = arith.constant 0 : index
    %get3A_54 = vector.load %arg9[%get3A_52, %get3A_53] : memref<128x128xf32, #tpu.memory_space<vmem>>, vector<128x128xf32>
    %dot_general3A_55 = arith.constant dense<0.000000e+00> : vector<64x128xf32>
    %dot_general3A_56 = tpu.matmul %mul3A, %get3A_54, %dot_general3A_55 {dimension_numbers = #tpu.dot_dimension_numbers<[1], [0], [0], [1], [0, 0, 1, 1], [], []>, transpose_lhs_hint = false} : vector<64x128xf32>, vector<128x128xf32>, vector<64x128xf32> -> vector<64x128xf32>
    %get3A_57 = arith.constant 0 : index
    %get3A_58 = arith.constant 0 : index
    %get3A_59 = vector.load %arg10[%get3A_57, %get3A_58] : memref<1x128xf32, #tpu.memory_space<vmem>>, vector<1x128xf32>
    %add3A_60 = vector.broadcast %get3A_59 : vector<1x128xf32> to vector<64x128xf32>
    %add3A_61 = arith.addf %dot_general3A_56, %add3A_60 : vector<64x128xf32>
    %get3A_62 = arith.constant 0 : index
    %get3A_63 = arith.constant 0 : index
    %get3A_64 = vector.load %arg11[%get3A_62, %get3A_63] : memref<128x128xf32, #tpu.memory_space<vmem>>, vector<128x128xf32>
    %dot_general3A_65 = arith.constant dense<0.000000e+00> : vector<64x128xf32>
    %dot_general3A_66 = tpu.matmul %add3A_61, %get3A_64, %dot_general3A_65 {dimension_numbers = #tpu.dot_dimension_numbers<[1], [0], [0], [1], [0, 0, 1, 1], [], []>, transpose_lhs_hint = false} : vector<64x128xf32>, vector<128x128xf32>, vector<64x128xf32> -> vector<64x128xf32>
    %swap3A = arith.constant 0 : index
    %swap3A_67 = arith.constant 0 : index
    %swap3A_68 = vector.load %arg12[%swap3A, %swap3A_67] : memref<64x128xf32, #tpu.memory_space<vmem>>, vector<64x128xf32>
    tpu.vector_store %arg12[%swap3A, %swap3A_67], %dot_general3A_66 {strides = array<i32>} : memref<64x128xf32, #tpu.memory_space<vmem>>, vector<64x128xf32>,
    return
  }
}

</mosaic_0001>

<sc_bundles>
// kernel: kernel.4.cloned.1.call-start
scs
__scs_entry_jumppad:
0x0: {  	(pc) =	sbr.rel $0x88, $3  }
0x1: {  	(tag) =	ssettag $0x0;
	lr =	simm.s32 $0x1  }
0x2: {  	[smem:$0x3F96] =	sst lr;
	_ =	strace $0xD0000000  }
0x3: {  	_ = 	snop  }
0x4: {  	_ = 	snop  }
0x5: {  	_ = 	snop  }
0x6: {  	_ = 	snop  }
0x7: {  	_ = 	snop  }
__scs_overlays_trampoline_lowered:
0x8: {  	[smem:$0x3FA5] =	sst s0  }
0x9: {  	[smem:$0x3FA6] =	sst s1  }
0xa: {  	[smem:$0x3FA7] =	sst s2  }
0xb: {  	[smem:$0x3FA8] =	sst s3  }
0xc: {  	[smem:$0x3FA9] =	sst s4  }
0xd: {  	[smem:$0x3FAA] =	sst s5  }
0xe: {  	[smem:$0x3FAB] =	sst s6  }
0xf: {  	[smem:$0x3FAC] =	sst s7  }
0x10: {  	[smem:$0x3FAD] =	sst s8  }
0x11: {  	[smem:$0x3FAE] =	sst s9;
	s0 =	simm.s32 @!p0 $0x0  }
0x12: {  	s1 =	sld [smem:$0x3F94];
	s0 =	simm.s32 @p0 $0x1  }
0x13: {  	[smem:$0x3FAF] =	sst s0;
	s0 =	simm.s32 @!p1 $0x0  }
0x14: {  	s2 =	sld [smem:$0x3F93];
	s0 =	simm.s32 @p1 $0x1  }
0x15: {  	[smem:$0x3FB0] =	sst s0;
	s0 =	simm.s32 @!p2 $0x0  }
0x16: {  	s3 =	sld [smem:$0x3FDB];
	s0 =	simm.s32 @p2 $0x1  }
0x17: {  	s4 =	simm.s32 $0x1BF5;
	[smem:$0x3FB2] =	sst s0  }
0x18: {  	s0 =	sld [smem:$0x3F95];
	_ =	swait.ge [sflag:s4], $0x0  }
0x19: {  	s7 =	sld [smem:$0x3F96]  }
0x1a: {  	s8 =	sadd.s32 $0xFFFFE003, lr  }
0x1b: {  	s9 =	sadd.s32 $0xFFFFFEF7, lr;
	s5 =	simm.s32 $0xFFFFFFFF;
	p2 =	slt.u32 s8, $0xFFFFF086  }
0x1c: {  	p1 =	slt.u32 s9, $0xF7A;
	s5 =	simm.s32 @!p2 $0x0  }
0x1d: {  	s5 =	simm.s32 @p1 $0x1;
	p0 =	seq.s32 s7, s2  }
0x1e: {  	s7 =	smul.u32 @!p0 $0xF7A, s2;
	p2 =	seq.s32 @!p0 s5, $0x0  }
0x1f: {  	s9 =	smul.u32 $0xF7A, s1;
	s8 =	simm.s32 @!p0 $0x1BF5;
	p2 =	por !p2, p0  }
0x20: {  	[sflag:s8] =	ssyncset.s32 @!p0 $0xFFFFF086;
	s6 =	sadd.s32 @!p0 s3, s7;
	s7 =	simm.s32 @!p0 $0x108  }
0x21: {  	s3 =	sadd.s32 s3, s9;
	s6 =	sadd.s32 @!p0 $0x88, s6;
	s7 =	simm.s32 @p2 $0x1082  }
0x22: {  	[simem:s7], [sflag:s8] =	dma.local @!p0 [hbm:s6], $0xF7A  }
0x23: {  	s9 =	sor.u32 $0xD0000000, s2;
	s6 =	simm.s32 $0x108;
	_ =	swait.ge @!p0 [sflag:s8], $0x0  }
0x24: {  	s3 =	sadd.s32 $0x88, s3;
	s6 =	simm.s32 @!p1 $0x1082;
	[sflag:s4] =	ssyncset.s32 $0xFFFFF086  }
0x25: {  	[simem:s6], [sflag:s4] =	dma.local [hbm:s3], $0xF7A  }
0x26: {  	[smem:$0x3F96] =	sst s1;
	(tag) =	ssettag s2;
	_ =	strace s9  }
0x27: {  	s1 =	sld [smem:$0x3FA6]  }
0x28: {  	s2 =	sld [smem:$0x3FA7]  }
0x29: {  	s4 =	sld [smem:$0x3FA9]  }
0x2a: {  	p0 =	seq.s32 s5, $0x0;
	s5 =	sld [smem:$0x3FAA]  }
0x2b: {  	s6 =	sld [smem:$0x3FAB]  }
0x2c: {  	s7 =	sld [smem:$0x3FAC]  }
0x2d: {  	s3 =	simm.s32 $0x108;
	s8 =	sld [smem:$0x3FAD]  }
0x2e: {  	s3 =	simm.s32 @!p0 $0x1082;
	s9 =	sld [smem:$0x3FAE]  }
0x2f: {  	lr =	sadd.s32 s0, s3;
	s0 =	sld [smem:$0x3FA5]  }
0x30: {  	s3 =	sld [smem:$0x3FA8]  }
0x31: {  	[smem:$0x3FB1] =	sst s10  }
0x32: {  	s10 =	sld [smem:$0x3FAF];
	_ =	sdelay $0x3  }
0x33: {  	p0 =	seq.s32 s10, $0x1;
	s10 =	sld [smem:$0x3FB1];
	_ =	sdelay $0x3  }
0x34: {  	[smem:$0x3FB1] =	sst s10  }
0x35: {  	s10 =	sld [smem:$0x3FB0];
	_ =	sdelay $0x3  }
0x36: {  	p1 =	seq.s32 s10, $0x1;
	s10 =	sld [smem:$0x3FB1];
	_ =	sdelay $0x3  }
0x37: {  	[smem:$0x3FB1] =	sst s10  }
0x38: {  	s10 =	sld [smem:$0x3FB2]  }
0x39: {  	_ = 	snop;
	(pc) =	sbr.ind lr, $3  }
0x3a: {  	_ = 	snop  }
0x3b: {  	_ = 	snop  }
0x3c: {  	p2 =	seq.s32 s10, $0x1;
	s10 =	sld [smem:$0x3FB1]  }
0x3d: {  	_ =	shalt  }
0x3e: {  	_ =	shalt  }
0x3f: {  	_ =	shalt  }
0x40: {  	_ =	shalt  }
0x41: {  	_ =	shalt  }
0x42: {  	_ =	shalt  }
0x43: {  	_ =	shalt  }
0x44: {  	_ =	shalt  }
0x45: {  	_ =	shalt  }
0x46: {  	_ =	shalt  }
0x47: {  	_ =	shalt  }
0x48: {  	_ =	shalt  }
0x49: {  	_ =	shalt  }
0x4a: {  	_ =	shalt  }
0x4b: {  	_ =	shalt  }
0x4c: {  	_ =	shalt  }
0x4d: {  	_ =	shalt  }
0x4e: {  	_ =	shalt  }
0x4f: {  	_ =	shalt  }
0x50: {  	_ =	shalt  }
0x51: {  	_ =	shalt  }
0x52: {  	_ =	shalt  }
0x53: {  	_ =	shalt  }
0x54: {  	_ =	shalt  }
0x55: {  	_ =	shalt  }
0x56: {  	_ =	shalt  }
0x57: {  	_ =	shalt  }
0x58: {  	_ =	shalt  }
0x59: {  	_ =	shalt  }
0x5a: {  	_ =	shalt  }
0x5b: {  	_ =	shalt  }
0x5c: {  	_ =	shalt  }
0x5d: {  	_ =	shalt  }
0x5e: {  	_ =	shalt  }
0x5f: {  	_ =	shalt  }
0x60: {  	_ =	shalt  }
0x61: {  	_ =	shalt  }
0x62: {  	_ =	shalt  }
0x63: {  	_ =	shalt  }
0x64: {  	_ =	shalt  }
0x65: {  	_ =	shalt  }
0x66: {  	_ =	shalt  }
0x67: {  	_ =	shalt  }
0x68: {  	_ =	shalt  }
0x69: {  	_ =	shalt  }
0x6a: {  	_ =	shalt  }
0x6b: {  	_ =	shalt  }
0x6c: {  	_ =	shalt  }
0x6d: {  	_ =	shalt  }
0x6e: {  	_ =	shalt  }
0x6f: {  	_ =	shalt  }
0x70: {  	_ =	shalt  }
0x71: {  	_ =	shalt  }
0x72: {  	_ =	shalt  }
0x73: {  	_ =	shalt  }
0x74: {  	_ =	shalt  }
0x75: {  	_ =	shalt  }
0x76: {  	_ =	shalt  }
0x77: {  	_ =	shalt  }
0x78: {  	_ =	shalt  }
0x79: {  	_ =	shalt  }
0x7a: {  	_ =	shalt  }
0x7b: {  	_ =	shalt  }
0x7c: {  	_ =	shalt  }
0x7d: {  	_ =	shalt  }
0x7e: {  	_ =	shalt  }
0x7f: {  	_ =	shalt  }
0x80: {  	_ =	shalt  }
0x81: {  	_ =	shalt  }
0x82: {  	_ =	shalt  }
0x83: {  	_ =	shalt  }
0x84: {  	_ =	shalt  }
0x85: {  	_ =	shalt  }
0x86: {  	_ =	shalt  }
0x87: {  	_ =	shalt  }
.Lfunc_end0:
.L_simem_size_0:
called_computation_lowered:
.L_overlay_start_0:
0x88: {  	s2 =	sld [smem:$0x3FD9]  }
0x89: {  	s3 =	sld [smem:$0x3FFE];
	_ =	sdelay $0x1  }
0x8a: {  	s1 =	srdreg.scid  }
0x8b: {  	s0 =	sand.u32 $0x1, s1  }
0x8c: {  	s17 =	sshll.u32 s0, $0xA;
	s2 =	sadd.s32 s3, s2  }
0x8d: {  	s2 =	sadd.s32 s2, s17  }
0x8e: {  	[smem:$0x3FBD] =	sst s2  }
0x8f: {  	_ = 	snop  }
0x90: {  	s2 =	sld [smem:$0x3FC9]  }
0x91: {  	s18 =	sld [smem:$0x3FC8]  }
0x92: {  	s4 =	sld [smem:$0x3FD0];
	(tm) =	ssettm $0x1  }
0x93: {  	s5 =	sld [smem:$0x3FFB];
	_ =	sdelay $0x3  }
0x94: {  	_ =	strace s5  }
0x95: {  	s5 =	sld [smem:$0x3FFC];
	_ =	sdelay $0x3  }
0x96: {  	_ =	strace s5  }
0x97: {  	s5 =	sld [smem:$0x3FFD];
	_ =	sdelay $0x3  }
0x98: {  	_ =	strace s5  }
0x99: {  	_ =	strace $0x8FFFFFFF  }
0x9a: {  	s19 =	sld [smem:$0x3FDB];
	_ =	sdelay $0x1  }
0x9b: {  	s6 =	simm.s32 $_scs_section_size  }
0x9c: {  	s7 =	simm.s32 $_size__tile_overlayer_lowered;
	s8 =	simm.s32 $_tile_overlayer_lowered  }
0x9d: {  	s22 =	simm.s32 $0x1BFF;
	s21 =	sshll.u32 s8, $0x1;
	s5 =	sadd.s32 s6, s19  }
0x9e: {  	s9 =	simm.s32 $0x0;
	s20 =	sshll.u32 s7, $0x1;
	s7 =	sadd.s32 s21, s5  }
0x9f: {  	[timem:s9], [sflag:s22] =	dma.local [hbm:s7], s20  }
0xa0: {  	_ =	swait.ge [sflag:s22], s20  }
0xa1: {  	s6 =	ssub.s32 $0x0, s20;
	[sflag:s22] =	ssyncset.done $0x0  }
0xa2: {  	[sflag:s22] =	ssyncadd.s32 s6;
	_ =	sdelay $0x1  }
0xa3: {  	s23 =	simm.s32 $0x1B8B  }
0xa4: {  	_ =	swait.ge [sflag:s23], $0x1  }
0xa5: {  	[sflag:s23] =	ssyncset.done $0x0  }
0xa6: {  	s25 =	simm.s32 $0x1B8E;
	s24 =	sld [smem:$0x3FFE];
	[sflag:s23] =	ssyncadd.s32 $0xFFFFFFFF  }
0xa7: {  	s26 =	simm.s32 $execute0_lowered;
	[smem:$0x3FD2] =	sst s25  }
0xa8: {  	s7 =	sshll.u32 s26, $0x1;
	_ =	strace $0x80000046;
	[dreg:$0x1] =	wrdreg $0xFFFFFFFF  }
0xa9: {  	s28 =	simm.s32 $_size_execute0_lowered;
	s5 =	sadd.s32 s5, s7;
	[dreg:$0x0] =	wrdreg $0x0  }
0xaa: {  	s7 =	sshll.u32 s28, $0x1;
	[dreg:$0x2] =	wrdreg s5  }
0xab: {  	[dreg:$0x3] =	wrdreg s7  }
0xac: {  	[dreg:$0x4] =	wrdreg $0xC0  }
0xad: {  	_ =	task [dreg:s9], $0x5FFFF  }
0xae: {  	[dreg:$0x1] =	wrdreg $0xFFFFFFFF  }
0xaf: {  	[dreg:$0x0] =	wrdreg $0x60  }
0xb0: {  	[dreg:$0x2] =	wrdreg s2  }
0xb1: {  	[dreg:$0x3] =	wrdreg s18  }
0xb2: {  	[dreg:$0x4] =	wrdreg s24  }
0xb3: {  	[dreg:$0x5] =	wrdreg s4  }
0xb4: {  	[dreg:$0x6] =	wrdreg $0x9  }
0xb5: {  	_ =	task.clear_ibuf [dreg:s9], $0x7FFFF;
	_ =	strace $0x90000046  }
0xb6: {  	s29 =	simm.s32 $0x9;
	_ =	strace $0x80000048  }
0xb7: {  	_ =	swait.ge [sflag:s29], $0x1  }
0xb8: {  	[sflag:s29] =	ssyncadd.s32 $0xFFFFFFFF  }
0xb9: {  	_ =	strace $0x90000048  }
0xba: {  	_ =	sfence  }
0xbb: {  	s30 =	sld [smem:$0x0];
	_ =	sdelay $0x2  }
0xbc: {  	s31 =	sshll.u32 s1, $0xD;
	s1 =	sshrl.u32 s1, $0x2  }
0xbd: {  	s3 =	sand.u32 $0x4000, s31;
	s1 =	sadd.s32 s1, s30  }
0xbe: {  	s0 =	sor.u32 s3, s0;
	s1 =	sshll.u32 s1, $0x11  }
0xbf: {  	s0 =	sor.u32 s1, s0  }
0xc0: {  	s0 =	sadd.s32 $0x8F2B, s0  }
0xc1: {  	[sflag:s0] =	ssyncadd.remote.s32 $0x1  }
0xc2: {  	_ =	sfence.sel $0xFFFF  }
0xc3: {  	[dreg:$0x0] =	wrdreg $0xFFFFFFFF;
	(pc) =	sbr.abs _section_cstart, $3  }
0xc4: {  	[dreg:$0x1] =	wrdreg $0xFFFFFFFF  }
0xc5: {  	_ =	task.clear_ibuf [dreg:s9], $0x2FFFF;
	_ =	strace $0x9FFFFFFF  }
0xc6: {  	(tm) =	ssettm $0x7FFFFFFF  }
0xc7: {  	_ =	shalt  }
tec
execute0_lowered:
.L_overlay_start_1:
0x0: {  	(tag) =	ssettag $0x1  }
0x1: {  	s1 =	rddreg [dreg:$0x0]  }
0x2: {  	s2 =	rddreg [dreg:$0x1]  }
0x3: {  	s7 =	rddreg [dreg:$0x2]  }
0x4: {  	s9 =	rddreg [dreg:$0x3]  }
0x5: {  	s0 =	rddreg [dreg:$0x4];
	s5 =	srdreg.scid;
	s4 =	simm.s32 $0x0  }
0x6: {  	s3 =	stileid.u32;
	s14 =	simm.s32 $0x100;
	s15 =	simm.s32 $0x0  }
0x7: {  	s5 =	sand.u32 $0x1, s5;
	[smem:$0x7FF] =	sst s4;
	s6 =	sshll.u32 s3, $0x2  }
0x8: {  	s12 =	sadd.s32 $0x3200, s7;
	s8 =	sshll.u32 s5, $0x1;
	_ =	strace $0x80000047  }
.Ltmp0:
0x9: {  	s10 =	ssub.s32 $0x2, s5;
	s5 =	sor.u32 s8, s6;
	(pc) =	sbr.rel .LBB2_1-.Ltmp0, $4  }
0xa: {  	s6 =	sadd.s32 $0x3000, s7;
	s30 =	sshrl.u32 s10, $0x1;
	s11 =	sshll.u32 s5, $0x4  }
0xb: {  	s13 =	ssub.s32 s10, s30;
	s31 =	sor.u32 $0x10, s11;
	s7 =	sadd.s32 s9, s11  }
0xc: {  	s8 =	sadd.s32 s12, s11;
	s11 =	smax.u32 s13, $0x1;
	s13 =	simm.s32 $0x180  }
0xd: {  	s9 =	sadd.s32 s9, s31;
	s10 =	sadd.s32 s12, s31;
	s12 =	simm.s32 $0x1  }
.LBB2_17:
0xe: {  	[tilespmem:$0x100] =	vst v7  }
0xf: {  	[tilespmem:$0x110] =	vst v6  }
0x10: {  	[tilespmem:$0x120] =	vst v5  }
0x11: {  	[tilespmem:$0x130] =	vst v4  }
0x12: {  	[tilespmem:$0x140] =	vst v3  }
0x13: {  	[tilespmem:$0x150] =	vst v2;
	s15 =	sadd.s32 $0x1, s15  }
0x14: {  	[tilespmem:$0x160] =	vst v1;
	p0 =	sne.s32 s15, s11  }
.Ltmp1:
0x15: {  	[tilespmem:$0x170] =	vst v0;
	(pc) =	sbr.rel @!p0 .LBB2_18-.Ltmp1, $4  }
0x16: {  	[hbm4b:s10+s4] =	stream.linear.scatter [tilespmem:s14], [sflag:$0x1], $0x80, $0x38;
	[tilespmem:$0x8180] =	vst v63  }
0x17: {  	_ =	swait.ge [sflag:s12], $0x80  }
0x18: {  	[sflag:s12] =	ssyncset.done $0x0  }
0x19: {  	[sflag:s12] =	ssyncadd.s32 $0xFFFFFF80  }
.LBB2_1:
0x1a: {  	[tilespmem:s4], [sflag:$0x1] =	stream.linear.gather [hbm4b:s6+s4], $0x100, $0x38;
	[tilespmem:$0x8180] =	vst v63  }
0x1b: {  	_ =	swait.ge [sflag:s12], $0x100  }
0x1c: {  	[sflag:s12] =	ssyncset.done $0x0  }
0x1d: {  	[sflag:s12] =	ssyncadd.s32 $0xFFFFFF00  }
0x1e: {  	v0 =	vld [tilespmem:s5+$0x0];
	_ =	sdelay $0x4  }
0x1f: {  	(v2sf) =	vpush v0, $0x0;
	_ =	sdelay $0x6  }
0x20: {  	(v2sf) =	vpush v0, $0x1;
	_ =	sdelay $0x7  }
0x21: {  	s16 =	spop (v2sf)  }
0x22: {  	s17 =	sand.u32 $0x7, s16  }
0x23: {  	s18 =	sshra.s32 s16, $0x1F;
	p0 =	slt.s32 s16, $0x1;
	p1 =	sne.s32 s17, $0x0  }
0x24: {  	s30 =	sshrl.u32 s18, $0x1D;
	p0 =	por !p0, !p1  }
0x25: {  	s18 =	simm.s32 $0x1;
	s17 =	sadd.s32 s30, s16;
	p0 =	por !p0, !p0  }
0x26: {  	s17 =	sshrl.u32 s17, $0x3;
	s18 =	simm.s32 @!p0 $0x0  }
0x27: {  	s18 =	ssub.s32 s17, s18  }
0x28: {  	s17 =	spop (v2sf);
	s18 =	sshll.u32 s18, $0x3  }
0x29: {  	s19 =	ssub.s32 s17, s18  }
0x2a: {  	s19 =	sadd.s32 $0xFF, s19  }
0x2b: {  	s20 =	sand.u32 $0xFF, s19  }
0x2c: {  	s21 =	sshra.s32 s19, $0x1F;
	p5 =	slt.s32 s19, $0x1;
	p6 =	sne.s32 s20, $0x0  }
0x2d: {  	s31 =	sshrl.u32 s21, $0x18;
	p0 =	por !p5, !p6  }
0x2e: {  	s20 =	simm.s32 $0x1;
	s19 =	sadd.s32 s31, s19;
	p0 =	por !p0, !p0  }
0x2f: {  	s19 =	sshra.s32 s19, $0x8;
	s20 =	simm.s32 @!p0 $0x0  }
0x30: {  	s19 =	ssub.s32 s19, s20  }
0x31: {  	p0 =	slt.s32 s19, $0x1  }
.Ltmp2:
0x32: {  	_ = 	snop;
	(pc) =	sbr.rel @p0 .LBB2_5-.Ltmp2, $4  }
0x33: {  	_ = 	snop  }
0x34: {  	v7 =	vimm.f32 $0.0e+00;
	v1 =	vimm.f32 $0.0e+00;
	v2 =	vimm.f32 $0.0e+00  }
0x35: {  	v3 =	vimm.f32 $0.0e+00;
	v4 =	vimm.f32 $0.0e+00;
	v5 =	vimm.f32 $0.0e+00  }
0x36: {  	v6 =	vimm.f32 $0.0e+00;
	v8 =	vimm.f32 $0.0e+00;
	v0 =	vimm.f32 $0.0e+00;
	s21 =	simm.s32 $0x0;
	s20 =	smov.u32 s18  }
.LBB2_2:
0x37: {  	s22 =	sshll.u32 s21, $0x8  }
0x38: {  	s22 =	sadd.s32 s18, s22  }
0x39: {  	p0 =	slt.s32 s22, $0x4E100  }
0x3a: {  	s22 =	simm.s32 @!p0 $0x4E100  }
0x3b: {  	s22 =	sshll.u32 s22, $0x4  }
0x3c: {  	s23 =	simm.s32 $0x0;
	s22 =	sadd.s32 s1, s22  }
0x3d: {  	[tilespmem:s13], [sflag:$0x1] =	stream.linear.gather [hbm4b:s22+s23], $0x8000, $0x38;
	[tilespmem:$0x8180] =	vst v63  }
0x3e: {  	_ =	swait.ge [sflag:s12], $0x8000  }
0x3f: {  	[sflag:s12] =	ssyncset.done $0x0  }
0x40: {  	s24 =	simm.s32 $0x1C0;
	[sflag:s12] =	ssyncadd.s32 $0xFFFF8000  }
0x41: {  	p0 =	slt.s32 s20, $0x4E100;
	s23 =	smov.u32 s20;
	v9 =	vld [tilespmem:s24+$0x30]  }
0x42: {  	s23 =	simm.s32 @!p0 $0x4E100;
	v10 =	vld [tilespmem:s24+$0xFFFFFFC0]  }
0x43: {  	s25 =	sadd.s32 $0x0, s23;
	v11 =	vld [tilespmem:s24+$0xFFFFFFD0]  }
0x44: {  	s22 =	simm.f32 $1.000000000e+00;
	p0 =	slt.s32 s25, s17;
	v15 =	vld [tilespmem:s24+$0xFFFFFFE0]  }
0x45: {  	p1 =	sge.s32 s25, s16;
	s22 =	simm.s32 @!p0 $0x0;
	v13 =	vld [tilespmem:s24+$0xFFFFFFF0]  }
0x46: {  	v12 =	vld [tilespmem:s24+$0x0];
	s22 =	simm.s32 @!p1 $0x0  }
0x47: {  	v16 =	vmul.f32 s22, v9;
	v17 =	vmul.f32 s22, v10;
	v9 =	vld [tilespmem:s24+$0x10]  }
0x48: {  	v14 =	vmul.f32 s22, v11;
	v10 =	vld [tilespmem:s24+$0x20];
	s24 =	simm.s32 $0x240  }
0x49: {  	s26 =	simm.s32 $0x2;
	s25 =	simm.s32 $0x1;
	v15 =	vmul.f32 s22, v15;
	v11 =	vld [tilespmem:s24+$0x30];
	v7 =	vadd.f32 v16, v7;
	v8 =	vadd.f32 v17, v8  }
.LBB2_3:
0x4a: {  	p0 =	sne.s32 s26, $0xFF;
	s28 =	sadd.s32 s25, s23;
	s25 =	smov.u32 s26  }
0x4b: {  	v16 =	vld [tilespmem:s24+$0xFFFFFFC0];
	v6 =	vadd.f32 v14, v6;
	v13 =	vmul.f32 s22, v13;
	p1 =	slt.s32 s28, s17;
	p2 =	sge.s32 s28, s16;
	s28 =	simm.f32 $1.000000000e+00  }
0x4c: {  	v14 =	vld [tilespmem:s24+$0xFFFFFFD0];
	v5 =	vadd.f32 v15, v5;
	v12 =	vmul.f32 s22, v12;
	s28 =	simm.s32 @!p1 $0x0  }
0x4d: {  	v15 =	vld [tilespmem:s24+$0xFFFFFFE0];
	v4 =	vadd.f32 v13, v4;
	v9 =	vmul.f32 s22, v9;
	v10 =	vmul.f32 s22, v10;
	s22 =	smov.u32 s28  }
.Ltmp3:
0x4e: {  	v13 =	vld [tilespmem:s24+$0xFFFFFFF0];
	v3 =	vadd.f32 v12, v3;
	s22 =	simm.s32 @!p2 $0x0;
	(pc) =	sbr.rel @p0 .LBB2_3-.Ltmp3, $4  }
0x4f: {  	v2 =	vadd.f32 v9, v2;
	v12 =	vld [tilespmem:s24+$0x0];
	v11 =	vmul.f32 s22, v11  }
0x50: {  	v16 =	vmul.f32 s22, v16;
	v1 =	vadd.f32 v10, v1;
	v9 =	vld [tilespmem:s24+$0x10]  }
0x51: {  	v14 =	vmul.f32 s22, v14;
	v10 =	vld [tilespmem:s24+$0x20];
	v7 =	vadd.f32 v11, v7;
	s24 =	sadd.s32 $0x80, s24  }
0x52: {  	s26 =	sadd.s32 $0x1, s26;
	v8 =	vadd.f32 v16, v8;
	v15 =	vmul.f32 s22, v15;
	v11 =	vld [tilespmem:s24+$0x30]  }
0x53: {  	v16 =	vld [tilespmem:s24+$0xFFFFFFC0]  }
0x54: {  	v17 =	vld [tilespmem:s24+$0xFFFFFFD0]  }
0x55: {  	v18 =	vld [tilespmem:s24+$0xFFFFFFE0]  }
0x56: {  	s23 =	sadd.s32 s25, s23;
	v19 =	vld [tilespmem:s24+$0xFFFFFFF0]  }
0x57: {  	v13 =	vmul.f32 s22, v13;
	s25 =	simm.f32 $1.000000000e+00;
	v61 =	vld [tilespmem:s24+$0x20];
	p0 =	slt.s32 s23, s17  }
0x58: {  	v20 =	vld [tilespmem:s24+$0x0];
	v6 =	vadd.f32 v14, v6;
	v12 =	vmul.f32 s22, v12;
	p1 =	sge.s32 s23, s16;
	s25 =	simm.s32 @!p0 $0x0;
	v9 =	vmul.f32 s22, v9  }
0x59: {  	v60 =	vld [tilespmem:s24+$0x10];
	v5 =	vadd.f32 v15, v5;
	v4 =	vadd.f32 v13, v4;
	s25 =	simm.s32 @!p1 $0x0;
	v10 =	vmul.f32 s22, v10  }
0x5a: {  	s21 =	sadd.s32 $0x1, s21;
	v3 =	vadd.f32 v12, v3;
	v11 =	vmul.f32 s25, v11;
	v2 =	vadd.f32 v9, v2  }
0x5b: {  	p0 =	sne.s32 s21, s19;
	v62 =	vmul.f32 s25, v16;
	v1 =	vadd.f32 v10, v1;
	v9 =	vmul.f32 s25, v17  }
.Ltmp4:
0x5c: {  	v10 =	vmul.f32 s25, v18;
	v63 =	vmul.f32 s25, v61;
	v7 =	vadd.f32 v11, v7;
	(pc) =	sbr.rel @p0 .LBB2_2-.Ltmp4, $4  }
0x5d: {  	v11 =	vmul.f32 s25, v20;
	v8 =	vadd.f32 v62, v8;
	v6 =	vadd.f32 v9, v6  }
0x5e: {  	v9 =	vmul.f32 s25, v19;
	v5 =	vadd.f32 v10, v5;
	v10 =	vmul.f32 s25, v60  }
0x5f: {  	v1 =	vadd.f32 v63, v1;
	v3 =	vadd.f32 v11, v3  }
0x60: {  	s20 =	sadd.s32 $0x100, s20;
	v4 =	vadd.f32 v9, v4;
	v2 =	vadd.f32 v10, v2  }
.LBB2_5:
0x61: {  	[tilespmem:$0x100] =	vst v8  }
0x62: {  	[tilespmem:$0x110] =	vst v6  }
0x63: {  	[tilespmem:$0x120] =	vst v5  }
0x64: {  	[tilespmem:$0x140] =	vst v3  }
0x65: {  	[tilespmem:$0x160] =	vst v1  }
0x66: {  	[tilespmem:$0x170] =	vst v7  }
0x67: {  	[tilespmem:$0x130] =	vst v4  }
0x68: {  	s16 =	simm.s32 $0x0;
	[tilespmem:$0x150] =	vst v2  }
0x69: {  	[hbm4b:s7+s16] =	stream.linear.scatter [tilespmem:s14], [sflag:$0x1], $0x80, $0x38;
	[tilespmem:$0x8180] =	vst v63  }
0x6a: {  	_ =	swait.ge [sflag:s12], $0x80  }
0x6b: {  	[sflag:s12] =	ssyncset.done $0x0  }
0x6c: {  	[sflag:s12] =	ssyncadd.s32 $0xFFFFFF80  }
0x6d: {  	v1 =	vld [tilespmem:s5+$0x50];
	_ =	sdelay $0x4  }
0x6e: {  	(v2sf) =	vpush v1, $0x0;
	_ =	sdelay $0x6  }
0x6f: {  	(v2sf) =	vpush v1, $0x1;
	_ =	sdelay $0x7  }
0x70: {  	s17 =	spop (v2sf)  }
0x71: {  	s18 =	sand.u32 $0x7, s17  }
0x72: {  	s19 =	sshra.s32 s17, $0x1F;
	p0 =	slt.s32 s17, $0x1;
	p1 =	sne.s32 s18, $0x0  }
0x73: {  	s30 =	sshrl.u32 s19, $0x1D;
	p0 =	por !p0, !p1  }
0x74: {  	s19 =	simm.s32 $0x1;
	s18 =	sadd.s32 s30, s17;
	p0 =	por !p0, !p0  }
0x75: {  	s18 =	sshrl.u32 s18, $0x3;
	s19 =	simm.s32 @!p0 $0x0  }
0x76: {  	s19 =	ssub.s32 s18, s19  }
0x77: {  	s18 =	spop (v2sf);
	s19 =	sshll.u32 s19, $0x3  }
0x78: {  	s20 =	ssub.s32 s18, s19  }
0x79: {  	s20 =	sadd.s32 $0xFF, s20  }
0x7a: {  	s21 =	sand.u32 $0xFF, s20  }
0x7b: {  	s22 =	sshra.s32 s20, $0x1F;
	p5 =	slt.s32 s20, $0x1;
	p6 =	sne.s32 s21, $0x0  }
0x7c: {  	s31 =	sshrl.u32 s22, $0x18;
	p0 =	por !p5, !p6  }
0x7d: {  	s21 =	simm.s32 $0x1;
	s20 =	sadd.s32 s31, s20;
	p0 =	por !p0, !p0  }
0x7e: {  	s20 =	sshra.s32 s20, $0x8;
	s21 =	simm.s32 @!p0 $0x0  }
0x7f: {  	s20 =	ssub.s32 s20, s21  }
0x80: {  	p0 =	slt.s32 s20, $0x1  }
.Ltmp5:
0x81: {  	_ = 	snop;
	(pc) =	sbr.rel @p0 .LBB2_9-.Ltmp5, $4  }
0x82: {  	_ = 	snop  }
0x83: {  	v3 =	vimm.f32 $0.0e+00  }
0x84: {  	v5 =	vimm.f32 $0.0e+00;
	v6 =	vimm.f32 $0.0e+00;
	v7 =	vimm.f32 $0.0e+00  }
0x85: {  	v2 =	vimm.f32 $0.0e+00;
	v4 =	vimm.f32 $0.0e+00;
	v1 =	vimm.f32 $0.0e+00;
	s22 =	simm.s32 $0x0;
	s21 =	smov.u32 s19  }
.LBB2_6:
0x86: {  	s23 =	sshll.u32 s22, $0x8  }
0x87: {  	s23 =	sadd.s32 s19, s23  }
0x88: {  	p0 =	slt.s32 s23, $0xC250  }
0x89: {  	s23 =	simm.s32 @!p0 $0xC250  }
0x8a: {  	s23 =	sshll.u32 s23, $0x4  }
0x8b: {  	s23 =	sadd.s32 s2, s23  }
0x8c: {  	[tilespmem:s13], [sflag:$0x1] =	stream.linear.gather [hbm4b:s23+s16], $0x8000, $0x38;
	[tilespmem:$0x8180] =	vst v63  }
0x8d: {  	_ =	swait.ge [sflag:s12], $0x8000  }
0x8e: {  	[sflag:s12] =	ssyncset.done $0x0  }
0x8f: {  	s25 =	simm.s32 $0x1C0;
	[sflag:s12] =	ssyncadd.s32 $0xFFFF8000  }
0x90: {  	s24 =	smov.u32 s21;
	p0 =	slt.s32 s21, $0xC250;
	v8 =	vld [tilespmem:s25+$0x30]  }
0x91: {  	s24 =	simm.s32 @!p0 $0xC250;
	v9 =	vld [tilespmem:s25+$0xFFFFFFC0]  }
0x92: {  	s26 =	sadd.s32 $0x0, s24;
	v10 =	vld [tilespmem:s25+$0xFFFFFFD0]  }
0x93: {  	p0 =	slt.s32 s26, s18;
	s23 =	simm.f32 $1.000000000e+00;
	v14 =	vld [tilespmem:s25+$0xFFFFFFE0]  }
0x94: {  	p1 =	sge.s32 s26, s17;
	s23 =	simm.s32 @!p0 $0x0;
	v12 =	vld [tilespmem:s25+$0xFFFFFFF0]  }
0x95: {  	s23 =	simm.s32 @!p1 $0x0;
	v11 =	vld [tilespmem:s25+$0x0]  }
0x96: {  	v15 =	vmul.f32 s23, v8;
	v16 =	vmul.f32 s23, v9;
	v8 =	vld [tilespmem:s25+$0x10]  }
0x97: {  	v13 =	vmul.f32 s23, v10;
	v9 =	vld [tilespmem:s25+$0x20];
	s25 =	simm.s32 $0x240  }
0x98: {  	s28 =	simm.s32 $0x2;
	s26 =	simm.s32 $0x1;
	v14 =	vmul.f32 s23, v14;
	v10 =	vld [tilespmem:s25+$0x30];
	v0 =	vadd.f32 v15, v0;
	v7 =	vadd.f32 v16, v7  }
.LBB2_7:
0x99: {  	p0 =	sne.s32 s28, $0xFF;
	s29 =	sadd.s32 s26, s24;
	s26 =	smov.u32 s28  }
0x9a: {  	v15 =	vld [tilespmem:s25+$0xFFFFFFC0];
	v6 =	vadd.f32 v13, v6;
	v12 =	vmul.f32 s23, v12;
	p1 =	slt.s32 s29, s18;
	p2 =	sge.s32 s29, s17;
	s29 =	simm.f32 $1.000000000e+00  }
0x9b: {  	v13 =	vld [tilespmem:s25+$0xFFFFFFD0];
	v5 =	vadd.f32 v14, v5;
	v11 =	vmul.f32 s23, v11;
	s29 =	simm.s32 @!p1 $0x0  }
0x9c: {  	v14 =	vld [tilespmem:s25+$0xFFFFFFE0];
	v4 =	vadd.f32 v12, v4;
	v8 =	vmul.f32 s23, v8;
	v9 =	vmul.f32 s23, v9;
	s23 =	smov.u32 s29  }
.Ltmp6:
0x9d: {  	v12 =	vld [tilespmem:s25+$0xFFFFFFF0];
	v3 =	vadd.f32 v11, v3;
	s23 =	simm.s32 @!p2 $0x0;
	(pc) =	sbr.rel @p0 .LBB2_7-.Ltmp6, $4  }
0x9e: {  	v2 =	vadd.f32 v8, v2;
	v11 =	vld [tilespmem:s25+$0x0];
	v10 =	vmul.f32 s23, v10  }
0x9f: {  	v15 =	vmul.f32 s23, v15;
	v1 =	vadd.f32 v9, v1;
	v8 =	vld [tilespmem:s25+$0x10]  }
0xa0: {  	v13 =	vmul.f32 s23, v13;
	v9 =	vld [tilespmem:s25+$0x20];
	v0 =	vadd.f32 v10, v0;
	s25 =	sadd.s32 $0x80, s25  }
0xa1: {  	s28 =	sadd.s32 $0x1, s28;
	v7 =	vadd.f32 v15, v7;
	v14 =	vmul.f32 s23, v14;
	v10 =	vld [tilespmem:s25+$0x30]  }
0xa2: {  	v15 =	vld [tilespmem:s25+$0xFFFFFFC0]  }
0xa3: {  	v16 =	vld [tilespmem:s25+$0xFFFFFFD0]  }
0xa4: {  	v17 =	vld [tilespmem:s25+$0xFFFFFFE0]  }
0xa5: {  	s24 =	sadd.s32 s26, s24;
	v19 =	vld [tilespmem:s25+$0x0]  }
0xa6: {  	v12 =	vmul.f32 s23, v12;
	s26 =	simm.f32 $1.000000000e+00;
	v57 =	vld [tilespmem:s25+$0x10];
	p0 =	slt.s32 s24, s18  }
0xa7: {  	v6 =	vadd.f32 v13, v6;
	v58 =	vld [tilespmem:s25+$0x20];
	v5 =	vadd.f32 v14, v5;
	v11 =	vmul.f32 s23, v11;
	p1 =	sge.s32 s24, s17;
	s26 =	simm.s32 @!p0 $0x0  }
0xa8: {  	v18 =	vld [tilespmem:s25+$0xFFFFFFF0];
	v4 =	vadd.f32 v12, v4;
	v8 =	vmul.f32 s23, v8;
	s26 =	simm.s32 @!p1 $0x0;
	v9 =	vmul.f32 s23, v9  }
0xa9: {  	s22 =	sadd.s32 $0x1, s22;
	v3 =	vadd.f32 v11, v3;
	v10 =	vmul.f32 s26, v10;
	v59 =	vmul.f32 s26, v15  }
0xaa: {  	p0 =	sne.s32 s22, s20;
	v2 =	vadd.f32 v8, v2;
	v8 =	vmul.f32 s26, v16;
	v60 =	vmul.f32 s26, v17  }
.Ltmp7:
0xab: {  	v1 =	vadd.f32 v9, v1;
	v61 =	vmul.f32 s26, v19;
	v62 =	vmul.f32 s26, v57;
	(pc) =	sbr.rel @p0 .LBB2_6-.Ltmp7, $4  }
0xac: {  	v63 =	vmul.f32 s26, v58;
	v0 =	vadd.f32 v10, v0;
	v7 =	vadd.f32 v59, v7  }
0xad: {  	v6 =	vadd.f32 v8, v6;
	v8 =	vmul.f32 s26, v18;
	v5 =	vadd.f32 v60, v5  }
0xae: {  	v3 =	vadd.f32 v61, v3;
	v2 =	vadd.f32 v62, v2  }
0xaf: {  	s21 =	sadd.s32 $0x100, s21;
	v1 =	vadd.f32 v63, v1;
	v4 =	vadd.f32 v8, v4  }
.LBB2_9:
0xb0: {  	[tilespmem:$0x100] =	vst v7  }
0xb1: {  	[tilespmem:$0x110] =	vst v6  }
0xb2: {  	[tilespmem:$0x120] =	vst v5  }
0xb3: {  	[tilespmem:$0x140] =	vst v3  }
0xb4: {  	[tilespmem:$0x150] =	vst v2  }
0xb5: {  	[tilespmem:$0x170] =	vst v0  }
0xb6: {  	[tilespmem:$0x130] =	vst v4  }
0xb7: {  	s16 =	simm.s32 $0x0;
	[tilespmem:$0x160] =	vst v1  }
0xb8: {  	[hbm4b:s8+s16] =	stream.linear.scatter [tilespmem:s14], [sflag:$0x1], $0x80, $0x38;
	[tilespmem:$0x8180] =	vst v63  }
0xb9: {  	_ =	swait.ge [sflag:s12], $0x80  }
0xba: {  	[sflag:s12] =	ssyncset.done $0x0  }
0xbb: {  	[sflag:s12] =	ssyncadd.s32 $0xFFFFFF80  }
0xbc: {  	v0 =	vld [tilespmem:s5+$0x1];
	_ =	sdelay $0x4  }
0xbd: {  	(v2sf) =	vpush v0, $0x0;
	_ =	sdelay $0x6  }
0xbe: {  	(v2sf) =	vpush v0, $0x1;
	_ =	sdelay $0x7  }
0xbf: {  	s17 =	spop (v2sf)  }
0xc0: {  	s18 =	sand.u32 $0x7, s17  }
0xc1: {  	s19 =	sshra.s32 s17, $0x1F;
	p0 =	slt.s32 s17, $0x1;
	p1 =	sne.s32 s18, $0x0  }
0xc2: {  	s30 =	sshrl.u32 s19, $0x1D;
	p0 =	por !p0, !p1  }
0xc3: {  	s19 =	simm.s32 $0x1;
	s18 =	sadd.s32 s30, s17;
	p0 =	por !p0, !p0  }
0xc4: {  	s18 =	sshrl.u32 s18, $0x3;
	s19 =	simm.s32 @!p0 $0x0  }
0xc5: {  	s19 =	ssub.s32 s18, s19  }
0xc6: {  	s18 =	spop (v2sf);
	s19 =	sshll.u32 s19, $0x3  }
0xc7: {  	s20 =	ssub.s32 s18, s19  }
0xc8: {  	s20 =	sadd.s32 $0xFF, s20  }
0xc9: {  	s21 =	sand.u32 $0xFF, s20  }
0xca: {  	s22 =	sshra.s32 s20, $0x1F;
	p5 =	slt.s32 s20, $0x1;
	p6 =	sne.s32 s21, $0x0  }
0xcb: {  	s31 =	sshrl.u32 s22, $0x18;
	p0 =	por !p5, !p6  }
0xcc: {  	s21 =	simm.s32 $0x1;
	s20 =	sadd.s32 s31, s20;
	p0 =	por !p0, !p0  }
0xcd: {  	s20 =	sshra.s32 s20, $0x8;
	s21 =	simm.s32 @!p0 $0x0  }
0xce: {  	s20 =	ssub.s32 s20, s21  }
0xcf: {  	p0 =	slt.s32 s20, $0x1  }
.Ltmp8:
0xd0: {  	_ = 	snop;
	(pc) =	sbr.rel @p0 .LBB2_13-.Ltmp8, $4  }
0xd1: {  	_ = 	snop  }
0xd2: {  	v7 =	vimm.f32 $0.0e+00;
	v2 =	vimm.f32 $0.0e+00;
	v3 =	vimm.f32 $0.0e+00  }
0xd3: {  	v5 =	vimm.f32 $0.0e+00;
	v6 =	vimm.f32 $0.0e+00;
	v8 =	vimm.f32 $0.0e+00  }
0xd4: {  	v1 =	vimm.f32 $0.0e+00;
	v4 =	vimm.f32 $0.0e+00;
	v0 =	vimm.f32 $0.0e+00;
	s22 =	simm.s32 $0x0;
	s21 =	smov.u32 s19  }
.LBB2_10:
0xd5: {  	s23 =	sshll.u32 s22, $0x8  }
0xd6: {  	s23 =	sadd.s32 s19, s23  }
0xd7: {  	p0 =	slt.s32 s23, $0x4E100  }
0xd8: {  	s23 =	simm.s32 @!p0 $0x4E100  }
0xd9: {  	s23 =	sshll.u32 s23, $0x4  }
0xda: {  	s23 =	sadd.s32 s1, s23  }
0xdb: {  	[tilespmem:s13], [sflag:$0x1] =	stream.linear.gather [hbm4b:s23+s16], $0x8000, $0x38;
	[tilespmem:$0x8180] =	vst v63  }
0xdc: {  	_ =	swait.ge [sflag:s12], $0x8000  }
0xdd: {  	[sflag:s12] =	ssyncset.done $0x0  }
0xde: {  	s25 =	simm.s32 $0x1C0;
	[sflag:s12] =	ssyncadd.s32 $0xFFFF8000  }
0xdf: {  	s24 =	smov.u32 s21;
	p0 =	slt.s32 s21, $0x4E100;
	v9 =	vld [tilespmem:s25+$0x30]  }
0xe0: {  	s24 =	simm.s32 @!p0 $0x4E100;
	v10 =	vld [tilespmem:s25+$0xFFFFFFC0]  }
0xe1: {  	s26 =	sadd.s32 $0x0, s24;
	v11 =	vld [tilespmem:s25+$0xFFFFFFD0]  }
0xe2: {  	p0 =	slt.s32 s26, s18;
	s23 =	simm.f32 $1.000000000e+00;
	v15 =	vld [tilespmem:s25+$0xFFFFFFE0]  }
0xe3: {  	p1 =	sge.s32 s26, s17;
	s23 =	simm.s32 @!p0 $0x0;
	v13 =	vld [tilespmem:s25+$0xFFFFFFF0]  }
0xe4: {  	s23 =	simm.s32 @!p1 $0x0;
	v12 =	vld [tilespmem:s25+$0x0]  }
0xe5: {  	v16 =	vmul.f32 s23, v9;
	v17 =	vmul.f32 s23, v10;
	v9 =	vld [tilespmem:s25+$0x10]  }
0xe6: {  	v14 =	vmul.f32 s23, v11;
	v10 =	vld [tilespmem:s25+$0x20];
	s25 =	simm.s32 $0x240  }
0xe7: {  	s28 =	simm.s32 $0x2;
	s26 =	simm.s32 $0x1;
	v15 =	vmul.f32 s23, v15;
	v11 =	vld [tilespmem:s25+$0x30];
	v7 =	vadd.f32 v16, v7;
	v8 =	vadd.f32 v17, v8  }
.LBB2_11:
0xe8: {  	p0 =	sne.s32 s28, $0xFF;
	s29 =	sadd.s32 s26, s24;
	s26 =	smov.u32 s28  }
0xe9: {  	v16 =	vld [tilespmem:s25+$0xFFFFFFC0];
	v6 =	vadd.f32 v14, v6;
	v13 =	vmul.f32 s23, v13;
	p1 =	slt.s32 s29, s18;
	p2 =	sge.s32 s29, s17;
	s29 =	simm.f32 $1.000000000e+00  }
0xea: {  	v14 =	vld [tilespmem:s25+$0xFFFFFFD0];
	v5 =	vadd.f32 v15, v5;
	v12 =	vmul.f32 s23, v12;
	s29 =	simm.s32 @!p1 $0x0  }
0xeb: {  	v15 =	vld [tilespmem:s25+$0xFFFFFFE0];
	v4 =	vadd.f32 v13, v4;
	v9 =	vmul.f32 s23, v9;
	v10 =	vmul.f32 s23, v10;
	s23 =	smov.u32 s29  }
.Ltmp9:
0xec: {  	v13 =	vld [tilespmem:s25+$0xFFFFFFF0];
	v3 =	vadd.f32 v12, v3;
	s23 =	simm.s32 @!p2 $0x0;
	(pc) =	sbr.rel @p0 .LBB2_11-.Ltmp9, $4  }
0xed: {  	v2 =	vadd.f32 v9, v2;
	v12 =	vld [tilespmem:s25+$0x0];
	v11 =	vmul.f32 s23, v11  }
0xee: {  	v16 =	vmul.f32 s23, v16;
	v1 =	vadd.f32 v10, v1;
	v9 =	vld [tilespmem:s25+$0x10]  }
0xef: {  	v14 =	vmul.f32 s23, v14;
	v10 =	vld [tilespmem:s25+$0x20];
	v7 =	vadd.f32 v11, v7;
	s25 =	sadd.s32 $0x80, s25  }
0xf0: {  	s28 =	sadd.s32 $0x1, s28;
	v8 =	vadd.f32 v16, v8;
	v15 =	vmul.f32 s23, v15;
	v11 =	vld [tilespmem:s25+$0x30]  }
0xf1: {  	v16 =	vld [tilespmem:s25+$0xFFFFFFC0]  }
0xf2: {  	v17 =	vld [tilespmem:s25+$0xFFFFFFD0]  }
0xf3: {  	v18 =	vld [tilespmem:s25+$0xFFFFFFE0]  }
0xf4: {  	s24 =	sadd.s32 s26, s24;
	v19 =	vld [tilespmem:s25+$0xFFFFFFF0]  }
0xf5: {  	v13 =	vmul.f32 s23, v13;
	s26 =	simm.f32 $1.000000000e+00;
	v61 =	vld [tilespmem:s25+$0x20];
	p0 =	slt.s32 s24, s18  }
0xf6: {  	v20 =	vld [tilespmem:s25+$0x0];
	v6 =	vadd.f32 v14, v6;
	v12 =	vmul.f32 s23, v12;
	p1 =	sge.s32 s24, s17;
	s26 =	simm.s32 @!p0 $0x0;
	v9 =	vmul.f32 s23, v9  }
0xf7: {  	v60 =	vld [tilespmem:s25+$0x10];
	v5 =	vadd.f32 v15, v5;
	v4 =	vadd.f32 v13, v4;
	s26 =	simm.s32 @!p1 $0x0;
	v10 =	vmul.f32 s23, v10  }
0xf8: {  	s22 =	sadd.s32 $0x1, s22;
	v3 =	vadd.f32 v12, v3;
	v11 =	vmul.f32 s26, v11;
	v2 =	vadd.f32 v9, v2  }
0xf9: {  	p0 =	sne.s32 s22, s20;
	v62 =	vmul.f32 s26, v16;
	v1 =	vadd.f32 v10, v1;
	v9 =	vmul.f32 s26, v17  }
.Ltmp10:
0xfa: {  	v10 =	vmul.f32 s26, v18;
	v63 =	vmul.f32 s26, v61;
	v7 =	vadd.f32 v11, v7;
	(pc) =	sbr.rel @p0 .LBB2_10-.Ltmp10, $4  }
0xfb: {  	v11 =	vmul.f32 s26, v20;
	v8 =	vadd.f32 v62, v8;
	v6 =	vadd.f32 v9, v6  }
0xfc: {  	v9 =	vmul.f32 s26, v19;
	v5 =	vadd.f32 v10, v5;
	v10 =	vmul.f32 s26, v60  }
0xfd: {  	v1 =	vadd.f32 v63, v1;
	v3 =	vadd.f32 v11, v3  }
0xfe: {  	s21 =	sadd.s32 $0x100, s21;
	v4 =	vadd.f32 v9, v4;
	v2 =	vadd.f32 v10, v2  }
.LBB2_13:
0xff: {  	[tilespmem:$0x100] =	vst v8  }
0x100: {  	[tilespmem:$0x110] =	vst v6  }
0x101: {  	[tilespmem:$0x120] =	vst v5  }
0x102: {  	[tilespmem:$0x140] =	vst v3  }
0x103: {  	[tilespmem:$0x160] =	vst v1  }
0x104: {  	[tilespmem:$0x170] =	vst v7  }
0x105: {  	[tilespmem:$0x130] =	vst v4  }
0x106: {  	s16 =	simm.s32 $0x0;
	[tilespmem:$0x150] =	vst v2  }
0x107: {  	[hbm4b:s9+s16] =	stream.linear.scatter [tilespmem:s14], [sflag:$0x1], $0x80, $0x38;
	[tilespmem:$0x8180] =	vst v63  }
0x108: {  	_ =	swait.ge [sflag:s12], $0x80  }
0x109: {  	[sflag:s12] =	ssyncset.done $0x0  }
0x10a: {  	[sflag:s12] =	ssyncadd.s32 $0xFFFFFF80  }
0x10b: {  	v1 =	vld [tilespmem:s5+$0x51];
	_ =	sdelay $0x4  }
0x10c: {  	(v2sf) =	vpush v1, $0x0;
	_ =	sdelay $0x6  }
0x10d: {  	(v2sf) =	vpush v1, $0x1;
	_ =	sdelay $0x7  }
0x10e: {  	s17 =	spop (v2sf)  }
0x10f: {  	s18 =	sand.u32 $0x7, s17  }
0x110: {  	s19 =	sshra.s32 s17, $0x1F;
	p0 =	slt.s32 s17, $0x1;
	p1 =	sne.s32 s18, $0x0  }
0x111: {  	s30 =	sshrl.u32 s19, $0x1D;
	p0 =	por !p0, !p1  }
0x112: {  	s19 =	simm.s32 $0x1;
	s18 =	sadd.s32 s30, s17;
	p0 =	por !p0, !p0  }
0x113: {  	s18 =	sshrl.u32 s18, $0x3;
	s19 =	simm.s32 @!p0 $0x0  }
0x114: {  	s19 =	ssub.s32 s18, s19  }
0x115: {  	s18 =	spop (v2sf);
	s19 =	sshll.u32 s19, $0x3  }
0x116: {  	s20 =	ssub.s32 s18, s19  }
0x117: {  	s20 =	sadd.s32 $0xFF, s20  }
0x118: {  	s21 =	sand.u32 $0xFF, s20  }
0x119: {  	s22 =	sshra.s32 s20, $0x1F;
	p5 =	slt.s32 s20, $0x1;
	p6 =	sne.s32 s21, $0x0  }
0x11a: {  	s31 =	sshrl.u32 s22, $0x18;
	p0 =	por !p5, !p6  }
0x11b: {  	s21 =	simm.s32 $0x1;
	s20 =	sadd.s32 s31, s20;
	p0 =	por !p0, !p0  }
0x11c: {  	s20 =	sshra.s32 s20, $0x8;
	s21 =	simm.s32 @!p0 $0x0  }
0x11d: {  	s20 =	ssub.s32 s20, s21  }
0x11e: {  	p0 =	slt.s32 s20, $0x1  }
.Ltmp11:
0x11f: {  	_ = 	snop;
	(pc) =	sbr.rel @p0 .LBB2_17-.Ltmp11, $4  }
0x120: {  	_ = 	snop  }
0x121: {  	v3 =	vimm.f32 $0.0e+00  }
0x122: {  	v5 =	vimm.f32 $0.0e+00;
	v6 =	vimm.f32 $0.0e+00;
	v7 =	vimm.f32 $0.0e+00  }
0x123: {  	v2 =	vimm.f32 $0.0e+00;
	v4 =	vimm.f32 $0.0e+00;
	v1 =	vimm.f32 $0.0e+00;
	s22 =	simm.s32 $0x0;
	s21 =	smov.u32 s19  }
.LBB2_14:
0x124: {  	s23 =	sshll.u32 s22, $0x8  }
0x125: {  	s23 =	sadd.s32 s19, s23  }
0x126: {  	p0 =	slt.s32 s23, $0xC250  }
0x127: {  	s23 =	simm.s32 @!p0 $0xC250  }
0x128: {  	s23 =	sshll.u32 s23, $0x4  }
0x129: {  	s23 =	sadd.s32 s2, s23  }
0x12a: {  	[tilespmem:s13], [sflag:$0x1] =	stream.linear.gather [hbm4b:s23+s16], $0x8000, $0x38;
	[tilespmem:$0x8180] =	vst v63  }
0x12b: {  	_ =	swait.ge [sflag:s12], $0x8000  }
0x12c: {  	[sflag:s12] =	ssyncset.done $0x0  }
0x12d: {  	s25 =	simm.s32 $0x1C0;
	[sflag:s12] =	ssyncadd.s32 $0xFFFF8000  }
0x12e: {  	s24 =	smov.u32 s21;
	p0 =	slt.s32 s21, $0xC250;
	v8 =	vld [tilespmem:s25+$0x30]  }
0x12f: {  	s24 =	simm.s32 @!p0 $0xC250;
	v9 =	vld [tilespmem:s25+$0xFFFFFFC0]  }
0x130: {  	s26 =	sadd.s32 $0x0, s24;
	v10 =	vld [tilespmem:s25+$0xFFFFFFD0]  }
0x131: {  	p0 =	slt.s32 s26, s18;
	s23 =	simm.f32 $1.000000000e+00;
	v14 =	vld [tilespmem:s25+$0xFFFFFFE0]  }
0x132: {  	p1 =	sge.s32 s26, s17;
	s23 =	simm.s32 @!p0 $0x0;
	v12 =	vld [tilespmem:s25+$0xFFFFFFF0]  }
0x133: {  	s23 =	simm.s32 @!p1 $0x0;
	v11 =	vld [tilespmem:s25+$0x0]  }
0x134: {  	v15 =	vmul.f32 s23, v8;
	v16 =	vmul.f32 s23, v9;
	v8 =	vld [tilespmem:s25+$0x10]  }
0x135: {  	v13 =	vmul.f32 s23, v10;
	v9 =	vld [tilespmem:s25+$0x20];
	s25 =	simm.s32 $0x240  }
0x136: {  	s28 =	simm.s32 $0x2;
	s26 =	simm.s32 $0x1;
	v14 =	vmul.f32 s23, v14;
	v10 =	vld [tilespmem:s25+$0x30];
	v0 =	vadd.f32 v15, v0;
	v7 =	vadd.f32 v16, v7  }
.LBB2_15:
0x137: {  	p0 =	sne.s32 s28, $0xFF;
	s29 =	sadd.s32 s26, s24;
	s26 =	smov.u32 s28  }
0x138: {  	v15 =	vld [tilespmem:s25+$0xFFFFFFC0];
	v6 =	vadd.f32 v13, v6;
	v12 =	vmul.f32 s23, v12;
	p1 =	slt.s32 s29, s18;
	p2 =	sge.s32 s29, s17;
	s29 =	simm.f32 $1.000000000e+00  }
0x139: {  	v13 =	vld [tilespmem:s25+$0xFFFFFFD0];
	v5 =	vadd.f32 v14, v5;
	v11 =	vmul.f32 s23, v11;
	s29 =	simm.s32 @!p1 $0x0  }
0x13a: {  	v14 =	vld [tilespmem:s25+$0xFFFFFFE0];
	v4 =	vadd.f32 v12, v4;
	v8 =	vmul.f32 s23, v8;
	v9 =	vmul.f32 s23, v9;
	s23 =	smov.u32 s29  }
.Ltmp12:
0x13b: {  	v12 =	vld [tilespmem:s25+$0xFFFFFFF0];
	v3 =	vadd.f32 v11, v3;
	s23 =	simm.s32 @!p2 $0x0;
	(pc) =	sbr.rel @p0 .LBB2_15-.Ltmp12, $4  }
0x13c: {  	v2 =	vadd.f32 v8, v2;
	v11 =	vld [tilespmem:s25+$0x0];
	v10 =	vmul.f32 s23, v10  }
0x13d: {  	v15 =	vmul.f32 s23, v15;
	v1 =	vadd.f32 v9, v1;
	v8 =	vld [tilespmem:s25+$0x10]  }
0x13e: {  	v13 =	vmul.f32 s23, v13;
	v9 =	vld [tilespmem:s25+$0x20];
	v0 =	vadd.f32 v10, v0;
	s25 =	sadd.s32 $0x80, s25  }
0x13f: {  	s28 =	sadd.s32 $0x1, s28;
	v7 =	vadd.f32 v15, v7;
	v14 =	vmul.f32 s23, v14;
	v10 =	vld [tilespmem:s25+$0x30]  }
0x140: {  	v15 =	vld [tilespmem:s25+$0xFFFFFFC0]  }
0x141: {  	v16 =	vld [tilespmem:s25+$0xFFFFFFD0]  }
0x142: {  	v17 =	vld [tilespmem:s25+$0xFFFFFFE0]  }
0x143: {  	s24 =	sadd.s32 s26, s24;
	v19 =	vld [tilespmem:s25+$0x0]  }
0x144: {  	v12 =	vmul.f32 s23, v12;
	s26 =	simm.f32 $1.000000000e+00;
	v57 =	vld [tilespmem:s25+$0x10];
	p0 =	slt.s32 s24, s18  }
0x145: {  	v6 =	vadd.f32 v13, v6;
	v58 =	vld [tilespmem:s25+$0x20];
	v5 =	vadd.f32 v14, v5;
	v11 =	vmul.f32 s23, v11;
	p1 =	sge.s32 s24, s17;
	s26 =	simm.s32 @!p0 $0x0  }
0x146: {  	v18 =	vld [tilespmem:s25+$0xFFFFFFF0];
	v4 =	vadd.f32 v12, v4;
	v8 =	vmul.f32 s23, v8;
	s26 =	simm.s32 @!p1 $0x0;
	v9 =	vmul.f32 s23, v9  }
0x147: {  	s22 =	sadd.s32 $0x1, s22;
	v3 =	vadd.f32 v11, v3;
	v10 =	vmul.f32 s26, v10;
	v59 =	vmul.f32 s26, v15  }
0x148: {  	p0 =	sne.s32 s22, s20;
	v2 =	vadd.f32 v8, v2;
	v8 =	vmul.f32 s26, v16;
	v60 =	vmul.f32 s26, v17  }
.Ltmp13:
0x149: {  	v1 =	vadd.f32 v9, v1;
	v61 =	vmul.f32 s26, v19;
	v62 =	vmul.f32 s26, v57;
	(pc) =	sbr.rel @p0 .LBB2_14-.Ltmp13, $4  }
.Ltmp14:
0x14a: {  	v63 =	vmul.f32 s26, v58;
	v0 =	vadd.f32 v10, v0;
	v7 =	vadd.f32 v59, v7;
	(pc) =	sbr.rel @!p0 .LBB2_17-.Ltmp14, $4  }
0x14b: {  	v6 =	vadd.f32 v8, v6;
	v8 =	vmul.f32 s26, v18;
	v5 =	vadd.f32 v60, v5  }
0x14c: {  	v3 =	vadd.f32 v61, v3;
	v2 =	vadd.f32 v62, v2  }
0x14d: {  	s21 =	sadd.s32 $0x100, s21;
	v1 =	vadd.f32 v63, v1;
	v4 =	vadd.f32 v8, v4  }
0x14e: {  	_ = 	snop  }
.LBB2_18:
0x14f: {  	_ =	sfence.sel $0x180000  }
0x150: {  	[bflag:$0x0] =	sbarrier.arrive $0xFFFF  }
0x151: {  	p0 =	sne.s32 s3, $0x0;
	_ =	strace $0x90000047  }
0x152: {  	s0 =	sadd.s32 @!p0 $0x100000, s0;
	[bflag:$0x2] =	sbarrier.arrive $0xFFFF  }
0x153: {  	[sflag:s0] =	ssyncadd.tile.s32 @!p0 $0x1;
	_ =	shalt  }
.Lfunc_end2:
_tile_overlayer_lowered:
.L_overlay_start_2:
0x154: {  	(tag) =	ssettag $0x2  }
0x155: {  	s0 =	rddreg [dreg:$0x0];
	s2 =	stileid.u32  }
0x156: {  	s1 =	rddreg [dreg:$0x1];
	p0 =	sne.s32 s2, $0x0  }
0x157: {  	s3 =	rddreg [dreg:$0x2];
	[bflag:$0x3] =	sbarrier.arrive $0xFFFF;
	s2 =	simm.s32 @!p0 $0x1C01  }
0x158: {  	[timem:s3], [sflag:s2] =	dma.local @!p0 [hbm:s0], s1  }
0x159: {  	s0 =	simm.s32 @!p0 $0x1  }
0x15a: {  	_ =	swait.ge @!p0 [sflag:s0], s1  }
0x15b: {  	s1 =	ssub.s32 @!p0 $0x0, s1;
	[sflag:s0] =	ssyncset.done @!p0 $0x0  }
0x15c: {  	[sflag:s0] =	ssyncadd.s32 @!p0 s1  }
0x15d: {  	[bflag:$0x3] =	sbarrier.arrive $0xFFFF  }
0x15e: {  	_ =	shalt  }

</sc_bundles>
